<compile_context>
chip_gen: v7x
topology: tpu7x:2x2x1
jax: 0.10.2.dev20260603
libtpu: 0.0.44.dev20260713+nightly
codegen_flags: <defaults>
</compile_context>

<pallas_src>
import functools

import jax
import jax.numpy as jnp
from jax import lax
from jax.experimental import pallas as pl
from jax.experimental.pallas import tpu as pltpu
from jax.experimental.pallas import tpu_sc as plsc

B, L = 64, 2048
W = 15
FP = 16
LANES = 16
CHUNKS = L // LANES
PAD = L + 32
NC, NS = 2, 16
RPW = B // (NC * NS)
NEG = -3.0e38


def _treemax(vals):
    vals = list(vals)
    while len(vals) > 1:
        nxt = [jnp.maximum(vals[i], vals[i + 1])
               for i in range(0, len(vals) - 1, 2)]
        if len(vals) % 2:
            nxt.append(vals[-1])
        vals = nxt
    return vals[0]


def _sc_body(sk_hbm, in_hbm, lp1_hbm, lp2_hbm, be_hbm, an_hbm,
             out1_hbm, out2_hbm,
             lp1_v, lp2_v, q_v, p2_v,
             sk_v, in_v, be_v, an_v, s0, s1, s2, s3):
    wid = lax.axis_index("s") * NC + lax.axis_index("c")
    row0 = wid * RPW

    zero16 = jnp.zeros((LANES,), jnp.float32)
    neg16 = jnp.full((LANES,), NEG, jnp.float32)
    iota16 = lax.iota(jnp.int32, LANES)
    idx0 = jnp.zeros((LANES,), jnp.int32)

    cp1 = pltpu.async_copy(lp1_hbm.at[pl.ds(row0, RPW)], lp1_v, s0)
    cp2 = pltpu.async_copy(lp2_hbm.at[pl.ds(row0, RPW)], lp2_v, s1)
    pltpu.sync_copy(sk_hbm, sk_v)
    pltpu.sync_copy(in_hbm, in_v)
    pltpu.sync_copy(be_hbm, be_v)
    pltpu.sync_copy(an_hbm, an_v)

    q_v[pl.ds(0, LANES)] = neg16
    q_v[pl.ds(L + FP, LANES)] = neg16
    p2_v[pl.ds(L, LANES)] = neg16
    p2_v[pl.ds(L + LANES, LANES)] = neg16

    be_g = plsc.load_gather(be_v, [idx0])
    an_g = plsc.load_gather(an_v, [idx0])
    cp1.wait()
    cp2.wait()

    for r in range(RPW):
        row = row0 + r
        rv = jnp.full((LANES,), r, jnp.int32)

        @plsc.parallel_loop(0, CHUNKS, unroll=8)
        def _copy(c):
            base = c * LANES
            q_v[pl.ds(base + FP, LANES)] = lp1_v[r, pl.ds(base, LANES)]
            p2_v[pl.ds(base, LANES)] = lp2_v[r, pl.ds(base, LANES)]

        v0fix = q_v[pl.ds(FP, LANES)]
        q_v[pl.ds(FP, LANES)] = jnp.where(iota16 == 0, NEG, v0fix)

        ninf = jnp.full((LANES,), -jnp.inf, jnp.float32)

        @plsc.parallel_loop(0, CHUNKS, unroll=2,
                            carry=(ninf, idx0, ninf, idx0))
        def _scan(c, carry):
            vm1, vi1, vm2, vi2 = carry
            base = c * LANES
            l2 = [p2_v[pl.ds(base + k, LANES)] for k in range(W)]
            we = _treemax(l2)
            l1 = [q_v[pl.ds(base + k, LANES)] for k in range(FP - W + 1, FP + 1)]
            ws = _treemax(l1)
            mr = l1[-1] + we
            mc = l2[0] + ws
            idx = iota16 + base
            u1 = mr > vm1
            vm1 = jnp.where(u1, mr, vm1)
            vi1 = jnp.where(u1, idx, vi1)
            u2 = mc > vm2
            vm2 = jnp.where(u2, mc, vm2)
            vi2 = jnp.where(u2, idx, vi2)
            return vm1, vi1, vm2, vi2

        vm1, vi1, vm2, vi2 = _scan

        def _perm(v, idx):
            return v.at[idx].get(mode="promise_in_bounds")

        def _allmax(v):
            for s in (8, 4, 2, 1):
                v = jnp.maximum(v, _perm(v, iota16 ^ s))
            return v

        def _allmin(v):
            for s in (8, 4, 2, 1):
                v = jnp.minimum(v, _perm(v, iota16 ^ s))
            return v

        m1 = _allmax(vm1)
        sidx_b = _allmin(jnp.where(vm1 == m1, vi1, L))
        m2 = _allmax(vm2)
        eidx_b = _allmin(jnp.where(vm2 == m2, vi2, L))

        l1_0 = plsc.load_gather(lp1_v, [rv, idx0])
        l2_0 = plsc.load_gather(lp2_v, [rv, idx0])
        noans = (l1_0 + l2_0) > m2
        sidx_v = jnp.where(noans, 0, sidx_b)
        eidx_v = jnp.where(noans, 0, eidx_b)

        has = plsc.load_gather(lp1_v, [rv, sidx_v]) * \
            plsc.load_gather(lp2_v, [rv, eidx_v])
        null = l1_0 * l2_0
        rowv = jnp.full((LANES,), row, jnp.int32)
        pred = be_g * plsc.load_gather(in_v, [rowv]) + \
            (1.0 - be_g) * plsc.load_gather(sk_v, [rowv])
        answerable = pred + (null - has)
        flag = jnp.any(answerable > an_g)

        @pl.when(flag)
        def _():
            @plsc.parallel_loop(0, CHUNKS, unroll=8)
            def _zero(c):
                base = c * LANES
                lp1_v[r, pl.ds(base, LANES)] = zero16
                lp2_v[r, pl.ds(base, LANES)] = zero16

    o1 = pltpu.async_copy(lp1_v, out1_hbm.at[pl.ds(row0, RPW)], s2)
    o2 = pltpu.async_copy(lp2_v, out2_hbm.at[pl.ds(row0, RPW)], s3)
    o1.wait()
    o2.wait()


@jax.jit
def _run(sketchy, intensive, log_p1, log_p2, beta, ans):
    mesh = plsc.VectorSubcoreMesh(core_axis_name="c", subcore_axis_name="s")
    f = functools.partial(
        pl.kernel,
        mesh=mesh,
        compiler_params=pltpu.CompilerParams(needs_layout_passes=False),
        out_type=[jax.ShapeDtypeStruct((B, L), jnp.float32),
                  jax.ShapeDtypeStruct((B, L), jnp.float32)],
        scratch_types=[
            pltpu.VMEM((RPW, L), jnp.float32),
            pltpu.VMEM((RPW, L), jnp.float32),
            pltpu.VMEM((PAD,), jnp.float32),
            pltpu.VMEM((PAD,), jnp.float32),
            pltpu.VMEM((B,), jnp.float32),
            pltpu.VMEM((B,), jnp.float32),
            pltpu.VMEM((1,), jnp.float32),
            pltpu.VMEM((1,), jnp.float32),
            pltpu.SemaphoreType.DMA,
            pltpu.SemaphoreType.DMA,
            pltpu.SemaphoreType.DMA,
            pltpu.SemaphoreType.DMA,
        ],
    )(_sc_body)
    return f(sketchy, intensive, log_p1, log_p2, beta, ans)


def kernel(sketchy_prediction, intensive_prediction, log_p1, log_p2, beta, ans,
           max_len):
    out1, out2 = _run(sketchy_prediction, intensive_prediction,
                      log_p1, log_p2, beta, ans)
    return (out1, out2)

# --- scband reference (transcript-rebuilt; emitter-appended) ---
"""Pipeline reference for scband-rv-tav-13623636263147 (READ-ONLY COPY).

The authoritative reference and input builder live on the scoring server;
editing this copy changes nothing except your own understanding.
"""

import jax, jax.numpy as jnp
import numpy as np

B, L = 64, 2048


def setup_inputs(seed: int = 0) -> dict:
    key = jax.random.key(seed)
    k1, k2, k3, k4 = jax.random.split(key, 4)
    sketchy_prediction = jax.random.uniform(k1, (B,), dtype=jnp.float32)
    intensive_prediction = jax.random.uniform(k2, (B,), dtype=jnp.float32)
    # log-probabilities (module exponentiates them, discretize expects probs in [0, 1])
    log_p1 = jax.nn.log_softmax(jax.random.normal(k3, (B, L), dtype=jnp.float32), axis=-1)
    log_p2 = jax.nn.log_softmax(jax.random.normal(k4, (B, L), dtype=jnp.float32), axis=-1)
    # learned parameters from __init__
    beta = jnp.zeros((1,), dtype=jnp.float32) + 0.5
    ans = jnp.zeros((1,), dtype=jnp.float32) + 0.75
    return {
        "sketchy_prediction": sketchy_prediction,
        "intensive_prediction": intensive_prediction,
        "log_p1": log_p1,
        "log_p2": log_p2,
        "beta": beta,
        "ans": ans,
        "max_len": 15,
    }


def discretize(p_start, p_end, max_len, no_answer):
    # standard SQuAD discretize (CS224N / BiDAF starter code semantics)
    c_len = p_start.shape[1]
    p_joint = jnp.matmul(p_start[:, :, None], p_end[:, None, :])  # (B, L, L)
    idx = jnp.arange(c_len)
    row = idx[:, None]
    col = idx[None, :]
    is_legal_pair = ((col >= row) & (col < row + max_len)).astype(jnp.float32)
    if no_answer:
        p_no_answer = p_joint[:, 0, 0]
        is_legal_pair = is_legal_pair.at[0, :].set(0.0)
        is_legal_pair = is_legal_pair.at[:, 0].set(0.0)
    else:
        p_no_answer = None
    p_joint = p_joint * is_legal_pair
    max_in_row = jnp.max(p_joint, axis=2)
    max_in_col = jnp.max(p_joint, axis=1)
    start_idxs = jnp.argmax(max_in_row, axis=-1)
    end_idxs = jnp.argmax(max_in_col, axis=-1)
    if no_answer:
        max_prob = jnp.max(max_in_col, axis=-1)
        start_idxs = jnp.where(p_no_answer > max_prob, 0, start_idxs)
        end_idxs = jnp.where(p_no_answer > max_prob, 0, end_idxs)
    return start_idxs, end_idxs


def reference(sketchy_prediction, intensive_prediction, log_p1, log_p2, beta, ans, max_len=15):
    starts, ends = discretize(jnp.exp(log_p1), jnp.exp(log_p2), max_len, True)
    pred_answerable = beta * intensive_prediction + (1.0 - beta) * sketchy_prediction
    b = log_p1.shape[0]
    rows = jnp.arange(b)
    has = log_p1[rows, starts] * log_p2[rows, ends]
    null = log_p1[:, 0] * log_p2[:, 0]
    span_answerable = null - has
    answerable = pred_answerable + span_answerable
    mask = (answerable > ans[0])[:, None]
    out1 = jnp.where(mask, 0.0, log_p1)
    out2 = jnp.where(mask, 0.0, log_p2)
    return (out1, out2)

if __name__ == "__main__":
    import jax
    _d = setup_inputs()
    print(jax.jit(kernel)(*tuple(_d.values())))

</pallas_src>

<mosaic_0001>
#map = affine_map<(d0, d1) -> (0)>
#map1 = affine_map<(d0, d1) -> (0, 0)>
module attributes {stable_mosaic.version = 14 : i64} {
  func.func @_sc_body(%arg0: i32, %arg1: i32, %arg2: memref<64xf32, #tpu.memory_space<hbm>>, %arg3: memref<64xf32, #tpu.memory_space<hbm>>, %arg4: memref<64x2048xf32, #tpu.memory_space<hbm>>, %arg5: memref<64x2048xf32, #tpu.memory_space<hbm>>, %arg6: memref<1xf32, #tpu.memory_space<hbm>>, %arg7: memref<1xf32, #tpu.memory_space<hbm>>, %arg8: memref<64x2048xf32, #tpu.memory_space<hbm>>, %arg9: memref<64x2048xf32, #tpu.memory_space<hbm>>, %arg10: memref<2x2048xf32, #tpu.memory_space<vmem>>, %arg11: memref<2x2048xf32, #tpu.memory_space<vmem>>, %arg12: memref<2080xf32, #tpu.memory_space<vmem>>, %arg13: memref<2080xf32, #tpu.memory_space<vmem>>, %arg14: memref<64xf32, #tpu.memory_space<vmem>>, %arg15: memref<64xf32, #tpu.memory_space<vmem>>, %arg16: memref<1xf32, #tpu.memory_space<vmem>>, %arg17: memref<1xf32, #tpu.memory_space<vmem>>, %arg18: memref<!tpu.dma_semaphore, #tpu.memory_space<semaphore_mem>>, %arg19: memref<!tpu.dma_semaphore, #tpu.memory_space<semaphore_mem>>, %arg20: memref<!tpu.dma_semaphore, #tpu.memory_space<semaphore_mem>>, %arg21: memref<!tpu.dma_semaphore, #tpu.memory_space<semaphore_mem>>) attributes {dimension_semantics = [#tpu.dimension_semantics<core_parallel>, #tpu.dimension_semantics<subcore_parallel>], iteration_bounds = array<i64: 2, 16>, scalar_prefetch = 0 : i64, scratch_operands = 12 : i64, tpu.core_type = #tpu.core_type<sc_vector_subcore>, window_params = [{transform_indices = #map}, {transform_indices = #map}, {transform_indices = #map1}, {transform_indices = #map1}, {transform_indices = #map}, {transform_indices = #map}, {transform_indices = #map1}, {transform_indices = #map1}]} {
    %mul3A = arith.constant 2 : i32
    %mul3A_0 = arith.muli %arg1, %mul3A : i32
    %add3A = arith.addi %mul3A_0, %arg0 : i32
    %mul3A_1 = arith.constant 2 : i32
    %mul3A_2 = arith.muli %add3A, %mul3A_1 : i32
    %broadcast_in_dim3A = arith.constant 0.000000e+00 : f32
    %broadcast_in_dim3A_3 = vector.broadcast %broadcast_in_dim3A : f32 to vector<16xf32>
    %broadcast_in_dim3A_4 = arith.constant -3.000000e+38 : f32
    %broadcast_in_dim3A_5 = vector.broadcast %broadcast_in_dim3A_4 : f32 to vector<16xf32>
    %iota3A = tpu.iota {dimensions = array<i32: 0>} : vector<16xi32>
    %broadcast_in_dim3A_6 = arith.constant 0 : i32
    %broadcast_in_dim3A_7 = vector.broadcast %broadcast_in_dim3A_6 : i32 to vector<16xi32>
    %dma_start3A = arith.constant 0 : i32
    %dma_start3A_8 = tpu.memref_slice %arg4[%mul3A_2, %dma_start3A] : memref<64x2048xf32, #tpu.memory_space<hbm>> -> memref<2x2048xf32, #tpu.memory_space<hbm>>
    %dma_start3A_9 = arith.constant 0 : i32
    %dma_start3A_10 = tpu.memref_slice %arg4[%mul3A_2, %dma_start3A_9] : memref<64x2048xf32, #tpu.memory_space<hbm>> -> memref<2x2048xf32, #tpu.memory_space<hbm>>
    tpu.enqueue_dma source(%dma_start3A_10 : memref<2x2048xf32, #tpu.memory_space<hbm>>) target(%arg10 : memref<2x2048xf32, #tpu.memory_space<vmem>>) target_semaphore(%arg18 : memref<!tpu.dma_semaphore, #tpu.memory_space<semaphore_mem>>)
    %dma_start3A_11 = arith.constant 0 : i32
    %dma_start3A_12 = tpu.memref_slice %arg5[%mul3A_2, %dma_start3A_11] : memref<64x2048xf32, #tpu.memory_space<hbm>> -> memref<2x2048xf32, #tpu.memory_space<hbm>>
    %dma_start3A_13 = arith.constant 0 : i32
    %dma_start3A_14 = tpu.memref_slice %arg5[%mul3A_2, %dma_start3A_13] : memref<64x2048xf32, #tpu.memory_space<hbm>> -> memref<2x2048xf32, #tpu.memory_space<hbm>>
    tpu.enqueue_dma source(%dma_start3A_14 : memref<2x2048xf32, #tpu.memory_space<hbm>>) target(%arg11 : memref<2x2048xf32, #tpu.memory_space<vmem>>) target_semaphore(%arg19 : memref<!tpu.dma_semaphore, #tpu.memory_space<semaphore_mem>>)
    "tpu.region"() ({
      %run_scoped3A = tpu.sem_alloc : memref<!tpu.dma_semaphore, #tpu.memory_space<semaphore_mem>>
      tpu.enqueue_dma source(%arg2 : memref<64xf32, #tpu.memory_space<hbm>>) target(%arg14 : memref<64xf32, #tpu.memory_space<vmem>>) target_semaphore(%run_scoped3A : memref<!tpu.dma_semaphore, #tpu.memory_space<semaphore_mem>>)
      tpu.wait_dma2 semaphore(%run_scoped3A : memref<!tpu.dma_semaphore, #tpu.memory_space<semaphore_mem>>) src(%arg2 : memref<64xf32, #tpu.memory_space<hbm>>) dst(%arg14 : memref<64xf32, #tpu.memory_space<vmem>>)
      tpu.yield
    }) : () -> ()
    "tpu.region"() ({
      %run_scoped3A = tpu.sem_alloc : memref<!tpu.dma_semaphore, #tpu.memory_space<semaphore_mem>>
      tpu.enqueue_dma source(%arg3 : memref<64xf32, #tpu.memory_space<hbm>>) target(%arg15 : memref<64xf32, #tpu.memory_space<vmem>>) target_semaphore(%run_scoped3A : memref<!tpu.dma_semaphore, #tpu.memory_space<semaphore_mem>>)
      tpu.wait_dma2 semaphore(%run_scoped3A : memref<!tpu.dma_semaphore, #tpu.memory_space<semaphore_mem>>) src(%arg3 : memref<64xf32, #tpu.memory_space<hbm>>) dst(%arg15 : memref<64xf32, #tpu.memory_space<vmem>>)
      tpu.yield
    }) : () -> ()
    "tpu.region"() ({
      %run_scoped3A = tpu.sem_alloc : memref<!tpu.dma_semaphore, #tpu.memory_space<semaphore_mem>>
      tpu.enqueue_dma source(%arg6 : memref<1xf32, #tpu.memory_space<hbm>>) target(%arg16 : memref<1xf32, #tpu.memory_space<vmem>>) target_semaphore(%run_scoped3A : memref<!tpu.dma_semaphore, #tpu.memory_space<semaphore_mem>>)
      tpu.wait_dma2 semaphore(%run_scoped3A : memref<!tpu.dma_semaphore, #tpu.memory_space<semaphore_mem>>) src(%arg6 : memref<1xf32, #tpu.memory_space<hbm>>) dst(%arg16 : memref<1xf32, #tpu.memory_space<vmem>>)
      tpu.yield
    }) : () -> ()
    "tpu.region"() ({
      %run_scoped3A = tpu.sem_alloc : memref<!tpu.dma_semaphore, #tpu.memory_space<semaphore_mem>>
      tpu.enqueue_dma source(%arg7 : memref<1xf32, #tpu.memory_space<hbm>>) target(%arg17 : memref<1xf32, #tpu.memory_space<vmem>>) target_semaphore(%run_scoped3A : memref<!tpu.dma_semaphore, #tpu.memory_space<semaphore_mem>>)
      tpu.wait_dma2 semaphore(%run_scoped3A : memref<!tpu.dma_semaphore, #tpu.memory_space<semaphore_mem>>) src(%arg7 : memref<1xf32, #tpu.memory_space<hbm>>) dst(%arg17 : memref<1xf32, #tpu.memory_space<vmem>>)
      tpu.yield
    }) : () -> ()
    %swap3A = arith.constant 0 : index
    %swap3A_15 = tpu.vector_load %arg12[%swap3A] {strides = array<i32>} : memref<2080xf32, #tpu.memory_space<vmem>>, vector<16xf32>,
    tpu.vector_store %arg12[%swap3A], %broadcast_in_dim3A_5 {strides = array<i32>} : memref<2080xf32, #tpu.memory_space<vmem>>, vector<16xf32>,
    %swap3A_16 = arith.constant 2064 : index
    %swap3A_17 = tpu.vector_load %arg12[%swap3A_16] {strides = array<i32>} : memref<2080xf32, #tpu.memory_space<vmem>>, vector<16xf32>,
    tpu.vector_store %arg12[%swap3A_16], %broadcast_in_dim3A_5 {strides = array<i32>} : memref<2080xf32, #tpu.memory_space<vmem>>, vector<16xf32>,
    %swap3A_18 = arith.constant 2048 : index
    %swap3A_19 = tpu.vector_load %arg13[%swap3A_18] {strides = array<i32>} : memref<2080xf32, #tpu.memory_space<vmem>>, vector<16xf32>,
    tpu.vector_store %arg13[%swap3A_18], %broadcast_in_dim3A_5 {strides = array<i32>} : memref<2080xf32, #tpu.memory_space<vmem>>, vector<16xf32>,
    %swap3A_20 = arith.constant 2064 : index
    %swap3A_21 = tpu.vector_load %arg13[%swap3A_20] {strides = array<i32>} : memref<2080xf32, #tpu.memory_space<vmem>>, vector<16xf32>,
    tpu.vector_store %arg13[%swap3A_20], %broadcast_in_dim3A_5 {strides = array<i32>} : memref<2080xf32, #tpu.memory_space<vmem>>, vector<16xf32>,
    %gather3A = tpu.vector_load_idx %arg16[%broadcast_in_dim3A_7] : memref<1xf32, #tpu.memory_space<vmem>>[vector<16xi32>], vector<16xf32>,
    %gather3A_22 = tpu.vector_load_idx %arg17[%broadcast_in_dim3A_7] : memref<1xf32, #tpu.memory_space<vmem>>[vector<16xi32>], vector<16xf32>,
    %dma_wait3A = arith.constant 0 : i32
    %dma_wait3A_23 = tpu.memref_slice %arg4[%mul3A_2, %dma_wait3A] : memref<64x2048xf32, #tpu.memory_space<hbm>> -> memref<2x2048xf32, #tpu.memory_space<hbm>>
    %dma_wait3A_24 = arith.constant 0 : i32
    %dma_wait3A_25 = tpu.memref_slice %arg4[%mul3A_2, %dma_wait3A_24] : memref<64x2048xf32, #tpu.memory_space<hbm>> -> memref<2x2048xf32, #tpu.memory_space<hbm>>
    tpu.wait_dma2 semaphore(%arg18 : memref<!tpu.dma_semaphore, #tpu.memory_space<semaphore_mem>>) src(%dma_wait3A_25 : memref<2x2048xf32, #tpu.memory_space<hbm>>) dst(%arg10 : memref<2x2048xf32, #tpu.memory_space<vmem>>)
    %dma_wait3A_26 = arith.constant 0 : i32
    %dma_wait3A_27 = tpu.memref_slice %arg5[%mul3A_2, %dma_wait3A_26] : memref<64x2048xf32, #tpu.memory_space<hbm>> -> memref<2x2048xf32, #tpu.memory_space<hbm>>
    %dma_wait3A_28 = arith.constant 0 : i32
    %dma_wait3A_29 = tpu.memref_slice %arg5[%mul3A_2, %dma_wait3A_28] : memref<64x2048xf32, #tpu.memory_space<hbm>> -> memref<2x2048xf32, #tpu.memory_space<hbm>>
    tpu.wait_dma2 semaphore(%arg19 : memref<!tpu.dma_semaphore, #tpu.memory_space<semaphore_mem>>) src(%dma_wait3A_29 : memref<2x2048xf32, #tpu.memory_space<hbm>>) dst(%arg11 : memref<2x2048xf32, #tpu.memory_space<vmem>>)
    %add3A_30 = arith.constant 0 : i32
    %add3A_31 = arith.addi %mul3A_2, %add3A_30 : i32
    %broadcast_in_dim3A_32 = arith.constant 0 : i32
    %broadcast_in_dim3A_33 = vector.broadcast %broadcast_in_dim3A_32 : i32 to vector<16xi32>
    %parallel_loop3A = arith.constant 0 : i32
    %parallel_loop3A_34 = arith.constant 128 : i32
    %parallel_loop3A_35 = arith.constant 1 : i32
    scf.for %parallel_loop3A_622 = %parallel_loop3A to %parallel_loop3A_34 step %parallel_loop3A_35  : i32 {
      %parallel_loop3A_623 = arith.constant 16 : i32
      %parallel_loop3A_624 = arith.muli %parallel_loop3A_622, %parallel_loop3A_623 : i32
      %parallel_loop3A_625 = arith.constant 0 : i32
      %parallel_loop3A_626 = arith.index_cast %parallel_loop3A_625 : i32 to index
      %parallel_loop3A_627 = arith.index_cast %parallel_loop3A_624 : i32 to index
      %parallel_loop3A_628 = tpu.vector_load %arg10[%parallel_loop3A_626, %parallel_loop3A_627] {strides = array<i32>} : memref<2x2048xf32, #tpu.memory_space<vmem>>, vector<16xf32>,
      %parallel_loop3A_629 = arith.constant 16 : i32
      %parallel_loop3A_630 = arith.addi %parallel_loop3A_624, %parallel_loop3A_629 : i32
      %parallel_loop3A_631 = arith.index_cast %parallel_loop3A_630 : i32 to index
      %parallel_loop3A_632 = tpu.vector_load %arg12[%parallel_loop3A_631] {strides = array<i32>} : memref<2080xf32, #tpu.memory_space<vmem>>, vector<16xf32>,
      tpu.vector_store %arg12[%parallel_loop3A_631], %parallel_loop3A_628 {strides = array<i32>} : memref<2080xf32, #tpu.memory_space<vmem>>, vector<16xf32>,
      %parallel_loop3A_633 = arith.constant 0 : i32
      %parallel_loop3A_634 = arith.index_cast %parallel_loop3A_633 : i32 to index
      %parallel_loop3A_635 = arith.index_cast %parallel_loop3A_624 : i32 to index
      %parallel_loop3A_636 = tpu.vector_load %arg11[%parallel_loop3A_634, %parallel_loop3A_635] {strides = array<i32>} : memref<2x2048xf32, #tpu.memory_space<vmem>>, vector<16xf32>,
      %parallel_loop3A_637 = arith.index_cast %parallel_loop3A_624 : i32 to index
      %parallel_loop3A_638 = tpu.vector_load %arg13[%parallel_loop3A_637] {strides = array<i32>} : memref<2080xf32, #tpu.memory_space<vmem>>, vector<16xf32>,
      tpu.vector_store %arg13[%parallel_loop3A_637], %parallel_loop3A_636 {strides = array<i32>} : memref<2080xf32, #tpu.memory_space<vmem>>, vector<16xf32>,
    } {sc.loop_unroll_factor = 8 : i64, sc.parallel_access}
    %get3A = arith.constant 16 : index
    %get3A_36 = tpu.vector_load %arg12[%get3A] {strides = array<i32>} : memref<2080xf32, #tpu.memory_space<vmem>>, vector<16xf32>,
    %eq3A = arith.constant 0 : i32
    %eq3A_37 = vector.broadcast %eq3A : i32 to vector<16xi32>
    %eq3A_38 = arith.cmpi eq, %iota3A, %eq3A_37 : vector<16xi32>
    %jit3A = arith.constant -3.000000e+38 : f32
    %broadcast_in_dim3A_39 = vector.broadcast %jit3A : f32 to vector<16xf32>
    %select_n3A = arith.select %eq3A_38, %broadcast_in_dim3A_39, %get3A_36 : vector<16xi1>, vector<16xf32>
    %swap3A_40 = arith.constant 16 : index
    %swap3A_41 = tpu.vector_load %arg12[%swap3A_40] {strides = array<i32>} : memref<2080xf32, #tpu.memory_space<vmem>>, vector<16xf32>,
    tpu.vector_store %arg12[%swap3A_40], %select_n3A {strides = array<i32>} : memref<2080xf32, #tpu.memory_space<vmem>>, vector<16xf32>,
    %broadcast_in_dim3A_42 = arith.constant 0xFF800000 : f32
    %broadcast_in_dim3A_43 = vector.broadcast %broadcast_in_dim3A_42 : f32 to vector<16xf32>
    %parallel_loop3A_44 = arith.constant 0 : i32
    %parallel_loop3A_45 = arith.constant 128 : i32
    %parallel_loop3A_46 = arith.constant 1 : i32
    %parallel_loop3A_47:4 = scf.for %parallel_loop3A_622 = %parallel_loop3A_44 to %parallel_loop3A_45 step %parallel_loop3A_46 iter_args(%parallel_loop3A_623 = %broadcast_in_dim3A_43, %parallel_loop3A_624 = %broadcast_in_dim3A_7, %parallel_loop3A_625 = %broadcast_in_dim3A_43, %parallel_loop3A_626 = %broadcast_in_dim3A_7) -> (vector<16xf32>, vector<16xi32>, vector<16xf32>, vector<16xi32>)  : i32 {
      %parallel_loop3A_627 = arith.constant 16 : i32
      %parallel_loop3A_628 = arith.muli %parallel_loop3A_622, %parallel_loop3A_627 : i32
      %parallel_loop3A_629 = arith.constant 0 : i32
      %parallel_loop3A_630 = arith.addi %parallel_loop3A_628, %parallel_loop3A_629 : i32
      %parallel_loop3A_631 = arith.index_cast %parallel_loop3A_630 : i32 to index
      %parallel_loop3A_632 = tpu.vector_load %arg13[%parallel_loop3A_631] {strides = array<i32>} : memref<2080xf32, #tpu.memory_space<vmem>>, vector<16xf32>,
      %parallel_loop3A_633 = arith.constant 1 : i32
      %parallel_loop3A_634 = arith.addi %parallel_loop3A_628, %parallel_loop3A_633 : i32
      %parallel_loop3A_635 = arith.index_cast %parallel_loop3A_634 : i32 to index
      %parallel_loop3A_636 = tpu.vector_load %arg13[%parallel_loop3A_635] {strides = array<i32>} : memref<2080xf32, #tpu.memory_space<vmem>>, vector<16xf32>,
      %parallel_loop3A_637 = arith.constant 2 : i32
      %parallel_loop3A_638 = arith.addi %parallel_loop3A_628, %parallel_loop3A_637 : i32
      %parallel_loop3A_639 = arith.index_cast %parallel_loop3A_638 : i32 to index
      %parallel_loop3A_640 = tpu.vector_load %arg13[%parallel_loop3A_639] {strides = array<i32>} : memref<2080xf32, #tpu.memory_space<vmem>>, vector<16xf32>,
      %parallel_loop3A_641 = arith.constant 3 : i32
      %parallel_loop3A_642 = arith.addi %parallel_loop3A_628, %parallel_loop3A_641 : i32
      %parallel_loop3A_643 = arith.index_cast %parallel_loop3A_642 : i32 to index
      %parallel_loop3A_644 = tpu.vector_load %arg13[%parallel_loop3A_643] {strides = array<i32>} : memref<2080xf32, #tpu.memory_space<vmem>>, vector<16xf32>,
      %parallel_loop3A_645 = arith.constant 4 : i32
      %parallel_loop3A_646 = arith.addi %parallel_loop3A_628, %parallel_loop3A_645 : i32
      %parallel_loop3A_647 = arith.index_cast %parallel_loop3A_646 : i32 to index
      %parallel_loop3A_648 = tpu.vector_load %arg13[%parallel_loop3A_647] {strides = array<i32>} : memref<2080xf32, #tpu.memory_space<vmem>>, vector<16xf32>,
      %parallel_loop3A_649 = arith.constant 5 : i32
      %parallel_loop3A_650 = arith.addi %parallel_loop3A_628, %parallel_loop3A_649 : i32
      %parallel_loop3A_651 = arith.index_cast %parallel_loop3A_650 : i32 to index
      %parallel_loop3A_652 = tpu.vector_load %arg13[%parallel_loop3A_651] {strides = array<i32>} : memref<2080xf32, #tpu.memory_space<vmem>>, vector<16xf32>,
      %parallel_loop3A_653 = arith.constant 6 : i32
      %parallel_loop3A_654 = arith.addi %parallel_loop3A_628, %parallel_loop3A_653 : i32
      %parallel_loop3A_655 = arith.index_cast %parallel_loop3A_654 : i32 to index
      %parallel_loop3A_656 = tpu.vector_load %arg13[%parallel_loop3A_655] {strides = array<i32>} : memref<2080xf32, #tpu.memory_space<vmem>>, vector<16xf32>,
      %parallel_loop3A_657 = arith.constant 7 : i32
      %parallel_loop3A_658 = arith.addi %parallel_loop3A_628, %parallel_loop3A_657 : i32
      %parallel_loop3A_659 = arith.index_cast %parallel_loop3A_658 : i32 to index
      %parallel_loop3A_660 = tpu.vector_load %arg13[%parallel_loop3A_659] {strides = array<i32>} : memref<2080xf32, #tpu.memory_space<vmem>>, vector<16xf32>,
      %parallel_loop3A_661 = arith.constant 8 : i32
      %parallel_loop3A_662 = arith.addi %parallel_loop3A_628, %parallel_loop3A_661 : i32
      %parallel_loop3A_663 = arith.index_cast %parallel_loop3A_662 : i32 to index
      %parallel_loop3A_664 = tpu.vector_load %arg13[%parallel_loop3A_663] {strides = array<i32>} : memref<2080xf32, #tpu.memory_space<vmem>>, vector<16xf32>,
      %parallel_loop3A_665 = arith.constant 9 : i32
      %parallel_loop3A_666 = arith.addi %parallel_loop3A_628, %parallel_loop3A_665 : i32
      %parallel_loop3A_667 = arith.index_cast %parallel_loop3A_666 : i32 to index
      %parallel_loop3A_668 = tpu.vector_load %arg13[%parallel_loop3A_667] {strides = array<i32>} : memref<2080xf32, #tpu.memory_space<vmem>>, vector<16xf32>,
      %parallel_loop3A_669 = arith.constant 10 : i32
      %parallel_loop3A_670 = arith.addi %parallel_loop3A_628, %parallel_loop3A_669 : i32
      %parallel_loop3A_671 = arith.index_cast %parallel_loop3A_670 : i32 to index
      %parallel_loop3A_672 = tpu.vector_load %arg13[%parallel_loop3A_671] {strides = array<i32>} : memref<2080xf32, #tpu.memory_space<vmem>>, vector<16xf32>,
      %parallel_loop3A_673 = arith.constant 11 : i32
      %parallel_loop3A_674 = arith.addi %parallel_loop3A_628, %parallel_loop3A_673 : i32
      %parallel_loop3A_675 = arith.index_cast %parallel_loop3A_674 : i32 to index
      %parallel_loop3A_676 = tpu.vector_load %arg13[%parallel_loop3A_675] {strides = array<i32>} : memref<2080xf32, #tpu.memory_space<vmem>>, vector<16xf32>,
      %parallel_loop3A_677 = arith.constant 12 : i32
      %parallel_loop3A_678 = arith.addi %parallel_loop3A_628, %parallel_loop3A_677 : i32
      %parallel_loop3A_679 = arith.index_cast %parallel_loop3A_678 : i32 to index
      %parallel_loop3A_680 = tpu.vector_load %arg13[%parallel_loop3A_679] {strides = array<i32>} : memref<2080xf32, #tpu.memory_space<vmem>>, vector<16xf32>,
      %parallel_loop3A_681 = arith.constant 13 : i32
      %parallel_loop3A_682 = arith.addi %parallel_loop3A_628, %parallel_loop3A_681 : i32
      %parallel_loop3A_683 = arith.index_cast %parallel_loop3A_682 : i32 to index
      %parallel_loop3A_684 = tpu.vector_load %arg13[%parallel_loop3A_683] {strides = array<i32>} : memref<2080xf32, #tpu.memory_space<vmem>>, vector<16xf32>,
      %parallel_loop3A_685 = arith.constant 14 : i32
      %parallel_loop3A_686 = arith.addi %parallel_loop3A_628, %parallel_loop3A_685 : i32
      %parallel_loop3A_687 = arith.index_cast %parallel_loop3A_686 : i32 to index
      %parallel_loop3A_688 = tpu.vector_load %arg13[%parallel_loop3A_687] {strides = array<i32>} : memref<2080xf32, #tpu.memory_space<vmem>>, vector<16xf32>,
      %parallel_loop3A_689 = arith.maximumf %parallel_loop3A_632, %parallel_loop3A_636 : vector<16xf32>
      %parallel_loop3A_690 = arith.maximumf %parallel_loop3A_640, %parallel_loop3A_644 : vector<16xf32>
      %parallel_loop3A_691 = arith.maximumf %parallel_loop3A_648, %parallel_loop3A_652 : vector<16xf32>
      %parallel_loop3A_692 = arith.maximumf %parallel_loop3A_656, %parallel_loop3A_660 : vector<16xf32>
      %parallel_loop3A_693 = arith.maximumf %parallel_loop3A_664, %parallel_loop3A_668 : vector<16xf32>
      %parallel_loop3A_694 = arith.maximumf %parallel_loop3A_672, %parallel_loop3A_676 : vector<16xf32>
      %parallel_loop3A_695 = arith.maximumf %parallel_loop3A_680, %parallel_loop3A_684 : vector<16xf32>
      %parallel_loop3A_696 = arith.maximumf %parallel_loop3A_689, %parallel_loop3A_690 : vector<16xf32>
      %parallel_loop3A_697 = arith.maximumf %parallel_loop3A_691, %parallel_loop3A_692 : vector<16xf32>
      %parallel_loop3A_698 = arith.maximumf %parallel_loop3A_693, %parallel_loop3A_694 : vector<16xf32>
      %parallel_loop3A_699 = arith.maximumf %parallel_loop3A_695, %parallel_loop3A_688 : vector<16xf32>
      %parallel_loop3A_700 = arith.maximumf %parallel_loop3A_696, %parallel_loop3A_697 : vector<16xf32>
      %parallel_loop3A_701 = arith.maximumf %parallel_loop3A_698, %parallel_loop3A_699 : vector<16xf32>
      %parallel_loop3A_702 = arith.maximumf %parallel_loop3A_700, %parallel_loop3A_701 : vector<16xf32>
      %parallel_loop3A_703 = arith.constant 2 : i32
      %parallel_loop3A_704 = arith.addi %parallel_loop3A_628, %parallel_loop3A_703 : i32
      %parallel_loop3A_705 = arith.index_cast %parallel_loop3A_704 : i32 to index
      %parallel_loop3A_706 = tpu.vector_load %arg12[%parallel_loop3A_705] {strides = array<i32>} : memref<2080xf32, #tpu.memory_space<vmem>>, vector<16xf32>,
      %parallel_loop3A_707 = arith.constant 3 : i32
      %parallel_loop3A_708 = arith.addi %parallel_loop3A_628, %parallel_loop3A_707 : i32
      %parallel_loop3A_709 = arith.index_cast %parallel_loop3A_708 : i32 to index
      %parallel_loop3A_710 = tpu.vector_load %arg12[%parallel_loop3A_709] {strides = array<i32>} : memref<2080xf32, #tpu.memory_space<vmem>>, vector<16xf32>,
      %parallel_loop3A_711 = arith.constant 4 : i32
      %parallel_loop3A_712 = arith.addi %parallel_loop3A_628, %parallel_loop3A_711 : i32
      %parallel_loop3A_713 = arith.index_cast %parallel_loop3A_712 : i32 to index
      %parallel_loop3A_714 = tpu.vector_load %arg12[%parallel_loop3A_713] {strides = array<i32>} : memref<2080xf32, #tpu.memory_space<vmem>>, vector<16xf32>,
      %parallel_loop3A_715 = arith.constant 5 : i32
      %parallel_loop3A_716 = arith.addi %parallel_loop3A_628, %parallel_loop3A_715 : i32
      %parallel_loop3A_717 = arith.index_cast %parallel_loop3A_716 : i32 to index
      %parallel_loop3A_718 = tpu.vector_load %arg12[%parallel_loop3A_717] {strides = array<i32>} : memref<2080xf32, #tpu.memory_space<vmem>>, vector<16xf32>,
      %parallel_loop3A_719 = arith.constant 6 : i32
      %parallel_loop3A_720 = arith.addi %parallel_loop3A_628, %parallel_loop3A_719 : i32
      %parallel_loop3A_721 = arith.index_cast %parallel_loop3A_720 : i32 to index
      %parallel_loop3A_722 = tpu.vector_load %arg12[%parallel_loop3A_721] {strides = array<i32>} : memref<2080xf32, #tpu.memory_space<vmem>>, vector<16xf32>,
      %parallel_loop3A_723 = arith.constant 7 : i32
      %parallel_loop3A_724 = arith.addi %parallel_loop3A_628, %parallel_loop3A_723 : i32
      %parallel_loop3A_725 = arith.index_cast %parallel_loop3A_724 : i32 to index
      %parallel_loop3A_726 = tpu.vector_load %arg12[%parallel_loop3A_725] {strides = array<i32>} : memref<2080xf32, #tpu.memory_space<vmem>>, vector<16xf32>,
      %parallel_loop3A_727 = arith.constant 8 : i32
      %parallel_loop3A_728 = arith.addi %parallel_loop3A_628, %parallel_loop3A_727 : i32
      %parallel_loop3A_729 = arith.index_cast %parallel_loop3A_728 : i32 to index
      %parallel_loop3A_730 = tpu.vector_load %arg12[%parallel_loop3A_729] {strides = array<i32>} : memref<2080xf32, #tpu.memory_space<vmem>>, vector<16xf32>,
      %parallel_loop3A_731 = arith.constant 9 : i32
      %parallel_loop3A_732 = arith.addi %parallel_loop3A_628, %parallel_loop3A_731 : i32
      %parallel_loop3A_733 = arith.index_cast %parallel_loop3A_732 : i32 to index
      %parallel_loop3A_734 = tpu.vector_load %arg12[%parallel_loop3A_733] {strides = array<i32>} : memref<2080xf32, #tpu.memory_space<vmem>>, vector<16xf32>,
      %parallel_loop3A_735 = arith.constant 10 : i32
      %parallel_loop3A_736 = arith.addi %parallel_loop3A_628, %parallel_loop3A_735 : i32
      %parallel_loop3A_737 = arith.index_cast %parallel_loop3A_736 : i32 to index
      %parallel_loop3A_738 = tpu.vector_load %arg12[%parallel_loop3A_737] {strides = array<i32>} : memref<2080xf32, #tpu.memory_space<vmem>>, vector<16xf32>,
      %parallel_loop3A_739 = arith.constant 11 : i32
      %parallel_loop3A_740 = arith.addi %parallel_loop3A_628, %parallel_loop3A_739 : i32
      %parallel_loop3A_741 = arith.index_cast %parallel_loop3A_740 : i32 to index
      %parallel_loop3A_742 = tpu.vector_load %arg12[%parallel_loop3A_741] {strides = array<i32>} : memref<2080xf32, #tpu.memory_space<vmem>>, vector<16xf32>,
      %parallel_loop3A_743 = arith.constant 12 : i32
      %parallel_loop3A_744 = arith.addi %parallel_loop3A_628, %parallel_loop3A_743 : i32
      %parallel_loop3A_745 = arith.index_cast %parallel_loop3A_744 : i32 to index
      %parallel_loop3A_746 = tpu.vector_load %arg12[%parallel_loop3A_745] {strides = array<i32>} : memref<2080xf32, #tpu.memory_space<vmem>>, vector<16xf32>,
      %parallel_loop3A_747 = arith.constant 13 : i32
      %parallel_loop3A_748 = arith.addi %parallel_loop3A_628, %parallel_loop3A_747 : i32
      %parallel_loop3A_749 = arith.index_cast %parallel_loop3A_748 : i32 to index
      %parallel_loop3A_750 = tpu.vector_load %arg12[%parallel_loop3A_749] {strides = array<i32>} : memref<2080xf32, #tpu.memory_space<vmem>>, vector<16xf32>,
      %parallel_loop3A_751 = arith.constant 14 : i32
      %parallel_loop3A_752 = arith.addi %parallel_loop3A_628, %parallel_loop3A_751 : i32
      %parallel_loop3A_753 = arith.index_cast %parallel_loop3A_752 : i32 to index
      %parallel_loop3A_754 = tpu.vector_load %arg12[%parallel_loop3A_753] {strides = array<i32>} : memref<2080xf32, #tpu.memory_space<vmem>>, vector<16xf32>,
      %parallel_loop3A_755 = arith.constant 15 : i32
      %parallel_loop3A_756 = arith.addi %parallel_loop3A_628, %parallel_loop3A_755 : i32
      %parallel_loop3A_757 = arith.index_cast %parallel_loop3A_756 : i32 to index
      %parallel_loop3A_758 = tpu.vector_load %arg12[%parallel_loop3A_757] {strides = array<i32>} : memref<2080xf32, #tpu.memory_space<vmem>>, vector<16xf32>,
      %parallel_loop3A_759 = arith.constant 16 : i32
      %parallel_loop3A_760 = arith.addi %parallel_loop3A_628, %parallel_loop3A_759 : i32
      %parallel_loop3A_761 = arith.index_cast %parallel_loop3A_760 : i32 to index
      %parallel_loop3A_762 = tpu.vector_load %arg12[%parallel_loop3A_761] {strides = array<i32>} : memref<2080xf32, #tpu.memory_space<vmem>>, vector<16xf32>,
      %parallel_loop3A_763 = arith.maximumf %parallel_loop3A_706, %parallel_loop3A_710 : vector<16xf32>
      %parallel_loop3A_764 = arith.maximumf %parallel_loop3A_714, %parallel_loop3A_718 : vector<16xf32>
      %parallel_loop3A_765 = arith.maximumf %parallel_loop3A_722, %parallel_loop3A_726 : vector<16xf32>
      %parallel_loop3A_766 = arith.maximumf %parallel_loop3A_730, %parallel_loop3A_734 : vector<16xf32>
      %parallel_loop3A_767 = arith.maximumf %parallel_loop3A_738, %parallel_loop3A_742 : vector<16xf32>
      %parallel_loop3A_768 = arith.maximumf %parallel_loop3A_746, %parallel_loop3A_750 : vector<16xf32>
      %parallel_loop3A_769 = arith.maximumf %parallel_loop3A_754, %parallel_loop3A_758 : vector<16xf32>
      %parallel_loop3A_770 = arith.maximumf %parallel_loop3A_763, %parallel_loop3A_764 : vector<16xf32>
      %parallel_loop3A_771 = arith.maximumf %parallel_loop3A_765, %parallel_loop3A_766 : vector<16xf32>
      %parallel_loop3A_772 = arith.maximumf %parallel_loop3A_767, %parallel_loop3A_768 : vector<16xf32>
      %parallel_loop3A_773 = arith.maximumf %parallel_loop3A_769, %parallel_loop3A_762 : vector<16xf32>
      %parallel_loop3A_774 = arith.maximumf %parallel_loop3A_770, %parallel_loop3A_771 : vector<16xf32>
      %parallel_loop3A_775 = arith.maximumf %parallel_loop3A_772, %parallel_loop3A_773 : vector<16xf32>
      %parallel_loop3A_776 = arith.maximumf %parallel_loop3A_774, %parallel_loop3A_775 : vector<16xf32>
      %parallel_loop3A_777 = arith.addf %parallel_loop3A_762, %parallel_loop3A_702 : vector<16xf32>
      %parallel_loop3A_778 = arith.addf %parallel_loop3A_632, %parallel_loop3A_776 : vector<16xf32>
      %parallel_loop3A_779 = vector.broadcast %parallel_loop3A_628 : i32 to vector<16xi32>
      %parallel_loop3A_780 = arith.addi %iota3A, %parallel_loop3A_779 : vector<16xi32>
      %parallel_loop3A_781 = arith.cmpf ogt, %parallel_loop3A_777, %parallel_loop3A_623 : vector<16xf32>
      %parallel_loop3A_782 = arith.select %parallel_loop3A_781, %parallel_loop3A_777, %parallel_loop3A_623 : vector<16xi1>, vector<16xf32>
      %parallel_loop3A_783 = arith.select %parallel_loop3A_781, %parallel_loop3A_780, %parallel_loop3A_624 : vector<16xi1>, vector<16xi32>
      %parallel_loop3A_784 = arith.cmpf ogt, %parallel_loop3A_778, %parallel_loop3A_625 : vector<16xf32>
      %parallel_loop3A_785 = arith.select %parallel_loop3A_784, %parallel_loop3A_778, %parallel_loop3A_625 : vector<16xi1>, vector<16xf32>
      %parallel_loop3A_786 = arith.select %parallel_loop3A_784, %parallel_loop3A_780, %parallel_loop3A_626 : vector<16xi1>, vector<16xi32>
      scf.yield %parallel_loop3A_782, %parallel_loop3A_783, %parallel_loop3A_785, %parallel_loop3A_786 : vector<16xf32>, vector<16xi32>, vector<16xf32>, vector<16xi32>
    } {sc.loop_unroll_factor = 2 : i64, sc.parallel_access}
    %xor3A = arith.constant 8 : i32
    %xor3A_48 = vector.broadcast %xor3A : i32 to vector<16xi32>
    %xor3A_49 = arith.xori %iota3A, %xor3A_48 : vector<16xi32>
    %lt3A = arith.constant 0 : i32
    %lt3A_50 = vector.broadcast %lt3A : i32 to vector<16xi32>
    %lt3A_51 = arith.cmpi slt, %xor3A_49, %lt3A_50 : vector<16xi32>
    %add3A_52 = arith.constant 16 : i32
    %add3A_53 = vector.broadcast %add3A_52 : i32 to vector<16xi32>
    %add3A_54 = arith.addi %xor3A_49, %add3A_53 : vector<16xi32>
    %select_n3A_55 = arith.select %lt3A_51, %add3A_54, %xor3A_49 : vector<16xi1>, vector<16xi32>
    %broadcast_in_dim3A_56 = vector.shape_cast %select_n3A_55 : vector<16xi32> to vector<16x1xi32>
    %gather3A_57 = vector.shape_cast %broadcast_in_dim3A_56 : vector<16x1xi32> to vector<16xi32>
    %gather3A_58 = tpu.dynamic_gather %parallel_loop3A_47#0[%gather3A_57] in [0] : vector<16xf32>, vector<16xi32> -> vector<16xf32>
    %max3A = arith.maximumf %parallel_loop3A_47#0, %gather3A_58 : vector<16xf32>
    %xor3A_59 = arith.constant 4 : i32
    %xor3A_60 = vector.broadcast %xor3A_59 : i32 to vector<16xi32>
    %xor3A_61 = arith.xori %iota3A, %xor3A_60 : vector<16xi32>
    %lt3A_62 = arith.constant 0 : i32
    %lt3A_63 = vector.broadcast %lt3A_62 : i32 to vector<16xi32>
    %lt3A_64 = arith.cmpi slt, %xor3A_61, %lt3A_63 : vector<16xi32>
    %add3A_65 = arith.constant 16 : i32
    %add3A_66 = vector.broadcast %add3A_65 : i32 to vector<16xi32>
    %add3A_67 = arith.addi %xor3A_61, %add3A_66 : vector<16xi32>
    %select_n3A_68 = arith.select %lt3A_64, %add3A_67, %xor3A_61 : vector<16xi1>, vector<16xi32>
    %broadcast_in_dim3A_69 = vector.shape_cast %select_n3A_68 : vector<16xi32> to vector<16x1xi32>
    %gather3A_70 = vector.shape_cast %broadcast_in_dim3A_69 : vector<16x1xi32> to vector<16xi32>
    %gather3A_71 = tpu.dynamic_gather %max3A[%gather3A_70] in [0] : vector<16xf32>, vector<16xi32> -> vector<16xf32>
    %max3A_72 = arith.maximumf %max3A, %gather3A_71 : vector<16xf32>
    %xor3A_73 = arith.constant 2 : i32
    %xor3A_74 = vector.broadcast %xor3A_73 : i32 to vector<16xi32>
    %xor3A_75 = arith.xori %iota3A, %xor3A_74 : vector<16xi32>
    %lt3A_76 = arith.constant 0 : i32
    %lt3A_77 = vector.broadcast %lt3A_76 : i32 to vector<16xi32>
    %lt3A_78 = arith.cmpi slt, %xor3A_75, %lt3A_77 : vector<16xi32>
    %add3A_79 = arith.constant 16 : i32
    %add3A_80 = vector.broadcast %add3A_79 : i32 to vector<16xi32>
    %add3A_81 = arith.addi %xor3A_75, %add3A_80 : vector<16xi32>
    %select_n3A_82 = arith.select %lt3A_78, %add3A_81, %xor3A_75 : vector<16xi1>, vector<16xi32>
    %broadcast_in_dim3A_83 = vector.shape_cast %select_n3A_82 : vector<16xi32> to vector<16x1xi32>
    %gather3A_84 = vector.shape_cast %broadcast_in_dim3A_83 : vector<16x1xi32> to vector<16xi32>
    %gather3A_85 = tpu.dynamic_gather %max3A_72[%gather3A_84] in [0] : vector<16xf32>, vector<16xi32> -> vector<16xf32>
    %max3A_86 = arith.maximumf %max3A_72, %gather3A_85 : vector<16xf32>
    %xor3A_87 = arith.constant 1 : i32
    %xor3A_88 = vector.broadcast %xor3A_87 : i32 to vector<16xi32>
    %xor3A_89 = arith.xori %iota3A, %xor3A_88 : vector<16xi32>
    %lt3A_90 = arith.constant 0 : i32
    %lt3A_91 = vector.broadcast %lt3A_90 : i32 to vector<16xi32>
    %lt3A_92 = arith.cmpi slt, %xor3A_89, %lt3A_91 : vector<16xi32>
    %add3A_93 = arith.constant 16 : i32
    %add3A_94 = vector.broadcast %add3A_93 : i32 to vector<16xi32>
    %add3A_95 = arith.addi %xor3A_89, %add3A_94 : vector<16xi32>
    %select_n3A_96 = arith.select %lt3A_92, %add3A_95, %xor3A_89 : vector<16xi1>, vector<16xi32>
    %broadcast_in_dim3A_97 = vector.shape_cast %select_n3A_96 : vector<16xi32> to vector<16x1xi32>
    %gather3A_98 = vector.shape_cast %broadcast_in_dim3A_97 : vector<16x1xi32> to vector<16xi32>
    %gather3A_99 = tpu.dynamic_gather %max3A_86[%gather3A_98] in [0] : vector<16xf32>, vector<16xi32> -> vector<16xf32>
    %max3A_100 = arith.maximumf %max3A_86, %gather3A_99 : vector<16xf32>
    %eq3A_101 = arith.cmpf oeq, %parallel_loop3A_47#0, %max3A_100 : vector<16xf32>
    %jit3A_102 = arith.constant 2048 : i32
    %broadcast_in_dim3A_103 = vector.broadcast %jit3A_102 : i32 to vector<16xi32>
    %select_n3A_104 = arith.select %eq3A_101, %parallel_loop3A_47#1, %broadcast_in_dim3A_103 : vector<16xi1>, vector<16xi32>
    %xor3A_105 = arith.constant 8 : i32
    %xor3A_106 = vector.broadcast %xor3A_105 : i32 to vector<16xi32>
    %xor3A_107 = arith.xori %iota3A, %xor3A_106 : vector<16xi32>
    %lt3A_108 = arith.constant 0 : i32
    %lt3A_109 = vector.broadcast %lt3A_108 : i32 to vector<16xi32>
    %lt3A_110 = arith.cmpi slt, %xor3A_107, %lt3A_109 : vector<16xi32>
    %add3A_111 = arith.constant 16 : i32
    %add3A_112 = vector.broadcast %add3A_111 : i32 to vector<16xi32>
    %add3A_113 = arith.addi %xor3A_107, %add3A_112 : vector<16xi32>
    %select_n3A_114 = arith.select %lt3A_110, %add3A_113, %xor3A_107 : vector<16xi1>, vector<16xi32>
    %broadcast_in_dim3A_115 = vector.shape_cast %select_n3A_114 : vector<16xi32> to vector<16x1xi32>
    %gather3A_116 = vector.shape_cast %broadcast_in_dim3A_115 : vector<16x1xi32> to vector<16xi32>
    %gather3A_117 = tpu.dynamic_gather %select_n3A_104[%gather3A_116] in [0] : vector<16xi32>, vector<16xi32> -> vector<16xi32>
    %min3A = arith.minsi %select_n3A_104, %gather3A_117 : vector<16xi32>
    %xor3A_118 = arith.constant 4 : i32
    %xor3A_119 = vector.broadcast %xor3A_118 : i32 to vector<16xi32>
    %xor3A_120 = arith.xori %iota3A, %xor3A_119 : vector<16xi32>
    %lt3A_121 = arith.constant 0 : i32
    %lt3A_122 = vector.broadcast %lt3A_121 : i32 to vector<16xi32>
    %lt3A_123 = arith.cmpi slt, %xor3A_120, %lt3A_122 : vector<16xi32>
    %add3A_124 = arith.constant 16 : i32
    %add3A_125 = vector.broadcast %add3A_124 : i32 to vector<16xi32>
    %add3A_126 = arith.addi %xor3A_120, %add3A_125 : vector<16xi32>
    %select_n3A_127 = arith.select %lt3A_123, %add3A_126, %xor3A_120 : vector<16xi1>, vector<16xi32>
    %broadcast_in_dim3A_128 = vector.shape_cast %select_n3A_127 : vector<16xi32> to vector<16x1xi32>
    %gather3A_129 = vector.shape_cast %broadcast_in_dim3A_128 : vector<16x1xi32> to vector<16xi32>
    %gather3A_130 = tpu.dynamic_gather %min3A[%gather3A_129] in [0] : vector<16xi32>, vector<16xi32> -> vector<16xi32>
    %min3A_131 = arith.minsi %min3A, %gather3A_130 : vector<16xi32>
    %xor3A_132 = arith.constant 2 : i32
    %xor3A_133 = vector.broadcast %xor3A_132 : i32 to vector<16xi32>
    %xor3A_134 = arith.xori %iota3A, %xor3A_133 : vector<16xi32>
    %lt3A_135 = arith.constant 0 : i32
    %lt3A_136 = vector.broadcast %lt3A_135 : i32 to vector<16xi32>
    %lt3A_137 = arith.cmpi slt, %xor3A_134, %lt3A_136 : vector<16xi32>
    %add3A_138 = arith.constant 16 : i32
    %add3A_139 = vector.broadcast %add3A_138 : i32 to vector<16xi32>
    %add3A_140 = arith.addi %xor3A_134, %add3A_139 : vector<16xi32>
    %select_n3A_141 = arith.select %lt3A_137, %add3A_140, %xor3A_134 : vector<16xi1>, vector<16xi32>
    %broadcast_in_dim3A_142 = vector.shape_cast %select_n3A_141 : vector<16xi32> to vector<16x1xi32>
    %gather3A_143 = vector.shape_cast %broadcast_in_dim3A_142 : vector<16x1xi32> to vector<16xi32>
    %gather3A_144 = tpu.dynamic_gather %min3A_131[%gather3A_143] in [0] : vector<16xi32>, vector<16xi32> -> vector<16xi32>
    %min3A_145 = arith.minsi %min3A_131, %gather3A_144 : vector<16xi32>
    %xor3A_146 = arith.constant 1 : i32
    %xor3A_147 = vector.broadcast %xor3A_146 : i32 to vector<16xi32>
    %xor3A_148 = arith.xori %iota3A, %xor3A_147 : vector<16xi32>
    %lt3A_149 = arith.constant 0 : i32
    %lt3A_150 = vector.broadcast %lt3A_149 : i32 to vector<16xi32>
    %lt3A_151 = arith.cmpi slt, %xor3A_148, %lt3A_150 : vector<16xi32>
    %add3A_152 = arith.constant 16 : i32
    %add3A_153 = vector.broadcast %add3A_152 : i32 to vector<16xi32>
    %add3A_154 = arith.addi %xor3A_148, %add3A_153 : vector<16xi32>
    %select_n3A_155 = arith.select %lt3A_151, %add3A_154, %xor3A_148 : vector<16xi1>, vector<16xi32>
    %broadcast_in_dim3A_156 = vector.shape_cast %select_n3A_155 : vector<16xi32> to vector<16x1xi32>
    %gather3A_157 = vector.shape_cast %broadcast_in_dim3A_156 : vector<16x1xi32> to vector<16xi32>
    %gather3A_158 = tpu.dynamic_gather %min3A_145[%gather3A_157] in [0] : vector<16xi32>, vector<16xi32> -> vector<16xi32>
    %min3A_159 = arith.minsi %min3A_145, %gather3A_158 : vector<16xi32>
    %xor3A_160 = arith.constant 8 : i32
    %xor3A_161 = vector.broadcast %xor3A_160 : i32 to vector<16xi32>
    %xor3A_162 = arith.xori %iota3A, %xor3A_161 : vector<16xi32>
    %lt3A_163 = arith.constant 0 : i32
    %lt3A_164 = vector.broadcast %lt3A_163 : i32 to vector<16xi32>
    %lt3A_165 = arith.cmpi slt, %xor3A_162, %lt3A_164 : vector<16xi32>
    %add3A_166 = arith.constant 16 : i32
    %add3A_167 = vector.broadcast %add3A_166 : i32 to vector<16xi32>
    %add3A_168 = arith.addi %xor3A_162, %add3A_167 : vector<16xi32>
    %select_n3A_169 = arith.select %lt3A_165, %add3A_168, %xor3A_162 : vector<16xi1>, vector<16xi32>
    %broadcast_in_dim3A_170 = vector.shape_cast %select_n3A_169 : vector<16xi32> to vector<16x1xi32>
    %gather3A_171 = vector.shape_cast %broadcast_in_dim3A_170 : vector<16x1xi32> to vector<16xi32>
    %gather3A_172 = tpu.dynamic_gather %parallel_loop3A_47#2[%gather3A_171] in [0] : vector<16xf32>, vector<16xi32> -> vector<16xf32>
    %max3A_173 = arith.maximumf %parallel_loop3A_47#2, %gather3A_172 : vector<16xf32>
    %xor3A_174 = arith.constant 4 : i32
    %xor3A_175 = vector.broadcast %xor3A_174 : i32 to vector<16xi32>
    %xor3A_176 = arith.xori %iota3A, %xor3A_175 : vector<16xi32>
    %lt3A_177 = arith.constant 0 : i32
    %lt3A_178 = vector.broadcast %lt3A_177 : i32 to vector<16xi32>
    %lt3A_179 = arith.cmpi slt, %xor3A_176, %lt3A_178 : vector<16xi32>
    %add3A_180 = arith.constant 16 : i32
    %add3A_181 = vector.broadcast %add3A_180 : i32 to vector<16xi32>
    %add3A_182 = arith.addi %xor3A_176, %add3A_181 : vector<16xi32>
    %select_n3A_183 = arith.select %lt3A_179, %add3A_182, %xor3A_176 : vector<16xi1>, vector<16xi32>
    %broadcast_in_dim3A_184 = vector.shape_cast %select_n3A_183 : vector<16xi32> to vector<16x1xi32>
    %gather3A_185 = vector.shape_cast %broadcast_in_dim3A_184 : vector<16x1xi32> to vector<16xi32>
    %gather3A_186 = tpu.dynamic_gather %max3A_173[%gather3A_185] in [0] : vector<16xf32>, vector<16xi32> -> vector<16xf32>
    %max3A_187 = arith.maximumf %max3A_173, %gather3A_186 : vector<16xf32>
    %xor3A_188 = arith.constant 2 : i32
    %xor3A_189 = vector.broadcast %xor3A_188 : i32 to vector<16xi32>
    %xor3A_190 = arith.xori %iota3A, %xor3A_189 : vector<16xi32>
    %lt3A_191 = arith.constant 0 : i32
    %lt3A_192 = vector.broadcast %lt3A_191 : i32 to vector<16xi32>
    %lt3A_193 = arith.cmpi slt, %xor3A_190, %lt3A_192 : vector<16xi32>
    %add3A_194 = arith.constant 16 : i32
    %add3A_195 = vector.broadcast %add3A_194 : i32 to vector<16xi32>
    %add3A_196 = arith.addi %xor3A_190, %add3A_195 : vector<16xi32>
    %select_n3A_197 = arith.select %lt3A_193, %add3A_196, %xor3A_190 : vector<16xi1>, vector<16xi32>
    %broadcast_in_dim3A_198 = vector.shape_cast %select_n3A_197 : vector<16xi32> to vector<16x1xi32>
    %gather3A_199 = vector.shape_cast %broadcast_in_dim3A_198 : vector<16x1xi32> to vector<16xi32>
    %gather3A_200 = tpu.dynamic_gather %max3A_187[%gather3A_199] in [0] : vector<16xf32>, vector<16xi32> -> vector<16xf32>
    %max3A_201 = arith.maximumf %max3A_187, %gather3A_200 : vector<16xf32>
    %xor3A_202 = arith.constant 1 : i32
    %xor3A_203 = vector.broadcast %xor3A_202 : i32 to vector<16xi32>
    %xor3A_204 = arith.xori %iota3A, %xor3A_203 : vector<16xi32>
    %lt3A_205 = arith.constant 0 : i32
    %lt3A_206 = vector.broadcast %lt3A_205 : i32 to vector<16xi32>
    %lt3A_207 = arith.cmpi slt, %xor3A_204, %lt3A_206 : vector<16xi32>
    %add3A_208 = arith.constant 16 : i32
    %add3A_209 = vector.broadcast %add3A_208 : i32 to vector<16xi32>
    %add3A_210 = arith.addi %xor3A_204, %add3A_209 : vector<16xi32>
    %select_n3A_211 = arith.select %lt3A_207, %add3A_210, %xor3A_204 : vector<16xi1>, vector<16xi32>
    %broadcast_in_dim3A_212 = vector.shape_cast %select_n3A_211 : vector<16xi32> to vector<16x1xi32>
    %gather3A_213 = vector.shape_cast %broadcast_in_dim3A_212 : vector<16x1xi32> to vector<16xi32>
    %gather3A_214 = tpu.dynamic_gather %max3A_201[%gather3A_213] in [0] : vector<16xf32>, vector<16xi32> -> vector<16xf32>
    %max3A_215 = arith.maximumf %max3A_201, %gather3A_214 : vector<16xf32>
    %eq3A_216 = arith.cmpf oeq, %parallel_loop3A_47#2, %max3A_215 : vector<16xf32>
    %jit3A_217 = arith.constant 2048 : i32
    %broadcast_in_dim3A_218 = vector.broadcast %jit3A_217 : i32 to vector<16xi32>
    %select_n3A_219 = arith.select %eq3A_216, %parallel_loop3A_47#3, %broadcast_in_dim3A_218 : vector<16xi1>, vector<16xi32>
    %xor3A_220 = arith.constant 8 : i32
    %xor3A_221 = vector.broadcast %xor3A_220 : i32 to vector<16xi32>
    %xor3A_222 = arith.xori %iota3A, %xor3A_221 : vector<16xi32>
    %lt3A_223 = arith.constant 0 : i32
    %lt3A_224 = vector.broadcast %lt3A_223 : i32 to vector<16xi32>
    %lt3A_225 = arith.cmpi slt, %xor3A_222, %lt3A_224 : vector<16xi32>
    %add3A_226 = arith.constant 16 : i32
    %add3A_227 = vector.broadcast %add3A_226 : i32 to vector<16xi32>
    %add3A_228 = arith.addi %xor3A_222, %add3A_227 : vector<16xi32>
    %select_n3A_229 = arith.select %lt3A_225, %add3A_228, %xor3A_222 : vector<16xi1>, vector<16xi32>
    %broadcast_in_dim3A_230 = vector.shape_cast %select_n3A_229 : vector<16xi32> to vector<16x1xi32>
    %gather3A_231 = vector.shape_cast %broadcast_in_dim3A_230 : vector<16x1xi32> to vector<16xi32>
    %gather3A_232 = tpu.dynamic_gather %select_n3A_219[%gather3A_231] in [0] : vector<16xi32>, vector<16xi32> -> vector<16xi32>
    %min3A_233 = arith.minsi %select_n3A_219, %gather3A_232 : vector<16xi32>
    %xor3A_234 = arith.constant 4 : i32
    %xor3A_235 = vector.broadcast %xor3A_234 : i32 to vector<16xi32>
    %xor3A_236 = arith.xori %iota3A, %xor3A_235 : vector<16xi32>
    %lt3A_237 = arith.constant 0 : i32
    %lt3A_238 = vector.broadcast %lt3A_237 : i32 to vector<16xi32>
    %lt3A_239 = arith.cmpi slt, %xor3A_236, %lt3A_238 : vector<16xi32>
    %add3A_240 = arith.constant 16 : i32
    %add3A_241 = vector.broadcast %add3A_240 : i32 to vector<16xi32>
    %add3A_242 = arith.addi %xor3A_236, %add3A_241 : vector<16xi32>
    %select_n3A_243 = arith.select %lt3A_239, %add3A_242, %xor3A_236 : vector<16xi1>, vector<16xi32>
    %broadcast_in_dim3A_244 = vector.shape_cast %select_n3A_243 : vector<16xi32> to vector<16x1xi32>
    %gather3A_245 = vector.shape_cast %broadcast_in_dim3A_244 : vector<16x1xi32> to vector<16xi32>
    %gather3A_246 = tpu.dynamic_gather %min3A_233[%gather3A_245] in [0] : vector<16xi32>, vector<16xi32> -> vector<16xi32>
    %min3A_247 = arith.minsi %min3A_233, %gather3A_246 : vector<16xi32>
    %xor3A_248 = arith.constant 2 : i32
    %xor3A_249 = vector.broadcast %xor3A_248 : i32 to vector<16xi32>
    %xor3A_250 = arith.xori %iota3A, %xor3A_249 : vector<16xi32>
    %lt3A_251 = arith.constant 0 : i32
    %lt3A_252 = vector.broadcast %lt3A_251 : i32 to vector<16xi32>
    %lt3A_253 = arith.cmpi slt, %xor3A_250, %lt3A_252 : vector<16xi32>
    %add3A_254 = arith.constant 16 : i32
    %add3A_255 = vector.broadcast %add3A_254 : i32 to vector<16xi32>
    %add3A_256 = arith.addi %xor3A_250, %add3A_255 : vector<16xi32>
    %select_n3A_257 = arith.select %lt3A_253, %add3A_256, %xor3A_250 : vector<16xi1>, vector<16xi32>
    %broadcast_in_dim3A_258 = vector.shape_cast %select_n3A_257 : vector<16xi32> to vector<16x1xi32>
    %gather3A_259 = vector.shape_cast %broadcast_in_dim3A_258 : vector<16x1xi32> to vector<16xi32>
    %gather3A_260 = tpu.dynamic_gather %min3A_247[%gather3A_259] in [0] : vector<16xi32>, vector<16xi32> -> vector<16xi32>
    %min3A_261 = arith.minsi %min3A_247, %gather3A_260 : vector<16xi32>
    %xor3A_262 = arith.constant 1 : i32
    %xor3A_263 = vector.broadcast %xor3A_262 : i32 to vector<16xi32>
    %xor3A_264 = arith.xori %iota3A, %xor3A_263 : vector<16xi32>
    %lt3A_265 = arith.constant 0 : i32
    %lt3A_266 = vector.broadcast %lt3A_265 : i32 to vector<16xi32>
    %lt3A_267 = arith.cmpi slt, %xor3A_264, %lt3A_266 : vector<16xi32>
    %add3A_268 = arith.constant 16 : i32
    %add3A_269 = vector.broadcast %add3A_268 : i32 to vector<16xi32>
    %add3A_270 = arith.addi %xor3A_264, %add3A_269 : vector<16xi32>
    %select_n3A_271 = arith.select %lt3A_267, %add3A_270, %xor3A_264 : vector<16xi1>, vector<16xi32>
    %broadcast_in_dim3A_272 = vector.shape_cast %select_n3A_271 : vector<16xi32> to vector<16x1xi32>
    %gather3A_273 = vector.shape_cast %broadcast_in_dim3A_272 : vector<16x1xi32> to vector<16xi32>
    %gather3A_274 = tpu.dynamic_gather %min3A_261[%gather3A_273] in [0] : vector<16xi32>, vector<16xi32> -> vector<16xi32>
    %min3A_275 = arith.minsi %min3A_261, %gather3A_274 : vector<16xi32>
    %gather3A_276 = tpu.vector_load_idx %arg10[%broadcast_in_dim3A_33, %broadcast_in_dim3A_7] : memref<2x2048xf32, #tpu.memory_space<vmem>>[vector<16xi32>, vector<16xi32>], vector<16xf32>,
    %gather3A_277 = tpu.vector_load_idx %arg11[%broadcast_in_dim3A_33, %broadcast_in_dim3A_7] : memref<2x2048xf32, #tpu.memory_space<vmem>>[vector<16xi32>, vector<16xi32>], vector<16xf32>,
    %add3A_278 = arith.addf %gather3A_276, %gather3A_277 : vector<16xf32>
    %gt3A = arith.cmpf ogt, %add3A_278, %max3A_215 : vector<16xf32>
    %jit3A_279 = arith.constant 0 : i32
    %broadcast_in_dim3A_280 = vector.broadcast %jit3A_279 : i32 to vector<16xi32>
    %select_n3A_281 = arith.select %gt3A, %broadcast_in_dim3A_280, %min3A_159 : vector<16xi1>, vector<16xi32>
    %jit3A_282 = arith.constant 0 : i32
    %broadcast_in_dim3A_283 = vector.broadcast %jit3A_282 : i32 to vector<16xi32>
    %select_n3A_284 = arith.select %gt3A, %broadcast_in_dim3A_283, %min3A_275 : vector<16xi1>, vector<16xi32>
    %gather3A_285 = tpu.vector_load_idx %arg10[%broadcast_in_dim3A_33, %select_n3A_281] : memref<2x2048xf32, #tpu.memory_space<vmem>>[vector<16xi32>, vector<16xi32>], vector<16xf32>,
    %gather3A_286 = tpu.vector_load_idx %arg11[%broadcast_in_dim3A_33, %select_n3A_284] : memref<2x2048xf32, #tpu.memory_space<vmem>>[vector<16xi32>, vector<16xi32>], vector<16xf32>,
    %mul3A_287 = arith.mulf %gather3A_285, %gather3A_286 : vector<16xf32>
    %mul3A_288 = arith.mulf %gather3A_276, %gather3A_277 : vector<16xf32>
    %broadcast_in_dim3A_289 = vector.broadcast %add3A_31 : i32 to vector<16xi32>
    %gather3A_290 = tpu.vector_load_idx %arg15[%broadcast_in_dim3A_289] : memref<64xf32, #tpu.memory_space<vmem>>[vector<16xi32>], vector<16xf32>,
    %mul3A_291 = arith.mulf %gather3A, %gather3A_290 : vector<16xf32>
    %sub3A = arith.constant 1.000000e+00 : f32
    %sub3A_292 = vector.broadcast %sub3A : f32 to vector<16xf32>
    %sub3A_293 = arith.subf %sub3A_292, %gather3A : vector<16xf32>
    %gather3A_294 = tpu.vector_load_idx %arg14[%broadcast_in_dim3A_289] : memref<64xf32, #tpu.memory_space<vmem>>[vector<16xi32>], vector<16xf32>,
    %mul3A_295 = arith.mulf %sub3A_293, %gather3A_294 : vector<16xf32>
    %add3A_296 = arith.addf %mul3A_291, %mul3A_295 : vector<16xf32>
    %sub3A_297 = arith.subf %mul3A_288, %mul3A_287 : vector<16xf32>
    %add3A_298 = arith.addf %add3A_296, %sub3A_297 : vector<16xf32>
    %gt3A_299 = arith.cmpf ogt, %add3A_298, %gather3A_22 : vector<16xf32>
    %reduce_or3A = arith.constant 1.000000e+00 : f32
    %reduce_or3A_300 = arith.constant 0.000000e+00 : f32
    %reduce_or3A_301 = vector.broadcast %reduce_or3A : f32 to vector<16xf32>
    %reduce_or3A_302 = vector.broadcast %reduce_or3A_300 : f32 to vector<16xf32>
    %reduce_or3A_303 = arith.select %gt3A_299, %reduce_or3A_301, %reduce_or3A_302 : vector<16xi1>, vector<16xf32>
    %reduce_or3A_304 = arith.constant true
    %reduce_or3A_305 = vector.broadcast %reduce_or3A_304 : i1 to vector<16xi1>
    %reduce_or3A_306 = tpu.scan <max>, %reduce_or3A_303 masked %reduce_or3A_305 : vector<16xf32>, vector<16xi1> -> vector<16xf32>
    %reduce_or3A_307 = vector.extract %reduce_or3A_306[15] : f32 from vector<16xf32>
    %reduce_or3A_308 = arith.constant 0.000000e+00 : f32
    %reduce_or3A_309 = arith.cmpf ogt, %reduce_or3A_307, %reduce_or3A_308 : f32
    %convert_element_type3A = arith.extui %reduce_or3A_309 : i1 to i32
    %cond3A = arith.constant 0 : i32
    %cond3A_310 = arith.cmpi ne, %convert_element_type3A, %cond3A : i32
    scf.if %cond3A_310 {
      %parallel_loop3A_622 = arith.constant 0 : i32
      %parallel_loop3A_623 = arith.constant 128 : i32
      %parallel_loop3A_624 = arith.constant 1 : i32
      scf.for %parallel_loop3A_625 = %parallel_loop3A_622 to %parallel_loop3A_623 step %parallel_loop3A_624  : i32 {
        %parallel_loop3A_626 = arith.constant 16 : i32
        %parallel_loop3A_627 = arith.muli %parallel_loop3A_625, %parallel_loop3A_626 : i32
        %parallel_loop3A_628 = arith.constant 0 : i32
        %parallel_loop3A_629 = arith.index_cast %parallel_loop3A_628 : i32 to index
        %parallel_loop3A_630 = arith.index_cast %parallel_loop3A_627 : i32 to index
        %parallel_loop3A_631 = tpu.vector_load %arg10[%parallel_loop3A_629, %parallel_loop3A_630] {strides = array<i32>} : memref<2x2048xf32, #tpu.memory_space<vmem>>, vector<16xf32>,
        tpu.vector_store %arg10[%parallel_loop3A_629, %parallel_loop3A_630], %broadcast_in_dim3A_3 {strides = array<i32>} : memref<2x2048xf32, #tpu.memory_space<vmem>>, vector<16xf32>,
        %parallel_loop3A_632 = arith.constant 0 : i32
        %parallel_loop3A_633 = arith.index_cast %parallel_loop3A_632 : i32 to index
        %parallel_loop3A_634 = arith.index_cast %parallel_loop3A_627 : i32 to index
        %parallel_loop3A_635 = tpu.vector_load %arg11[%parallel_loop3A_633, %parallel_loop3A_634] {strides = array<i32>} : memref<2x2048xf32, #tpu.memory_space<vmem>>, vector<16xf32>,
        tpu.vector_store %arg11[%parallel_loop3A_633, %parallel_loop3A_634], %broadcast_in_dim3A_3 {strides = array<i32>} : memref<2x2048xf32, #tpu.memory_space<vmem>>, vector<16xf32>,
      } {sc.loop_unroll_factor = 8 : i64, sc.parallel_access}
    } else {
    }
    %add3A_311 = arith.constant 1 : i32
    %add3A_312 = arith.addi %mul3A_2, %add3A_311 : i32
    %broadcast_in_dim3A_313 = arith.constant 1 : i32
    %broadcast_in_dim3A_314 = vector.broadcast %broadcast_in_dim3A_313 : i32 to vector<16xi32>
    %parallel_loop3A_315 = arith.constant 0 : i32
    %parallel_loop3A_316 = arith.constant 128 : i32
    %parallel_loop3A_317 = arith.constant 1 : i32
    scf.for %parallel_loop3A_622 = %parallel_loop3A_315 to %parallel_loop3A_316 step %parallel_loop3A_317  : i32 {
      %parallel_loop3A_623 = arith.constant 16 : i32
      %parallel_loop3A_624 = arith.muli %parallel_loop3A_622, %parallel_loop3A_623 : i32
      %parallel_loop3A_625 = arith.constant 1 : i32
      %parallel_loop3A_626 = arith.index_cast %parallel_loop3A_625 : i32 to index
      %parallel_loop3A_627 = arith.index_cast %parallel_loop3A_624 : i32 to index
      %parallel_loop3A_628 = tpu.vector_load %arg10[%parallel_loop3A_626, %parallel_loop3A_627] {strides = array<i32>} : memref<2x2048xf32, #tpu.memory_space<vmem>>, vector<16xf32>,
      %parallel_loop3A_629 = arith.constant 16 : i32
      %parallel_loop3A_630 = arith.addi %parallel_loop3A_624, %parallel_loop3A_629 : i32
      %parallel_loop3A_631 = arith.index_cast %parallel_loop3A_630 : i32 to index
      %parallel_loop3A_632 = tpu.vector_load %arg12[%parallel_loop3A_631] {strides = array<i32>} : memref<2080xf32, #tpu.memory_space<vmem>>, vector<16xf32>,
      tpu.vector_store %arg12[%parallel_loop3A_631], %parallel_loop3A_628 {strides = array<i32>} : memref<2080xf32, #tpu.memory_space<vmem>>, vector<16xf32>,
      %parallel_loop3A_633 = arith.constant 1 : i32
      %parallel_loop3A_634 = arith.index_cast %parallel_loop3A_633 : i32 to index
      %parallel_loop3A_635 = arith.index_cast %parallel_loop3A_624 : i32 to index
      %parallel_loop3A_636 = tpu.vector_load %arg11[%parallel_loop3A_634, %parallel_loop3A_635] {strides = array<i32>} : memref<2x2048xf32, #tpu.memory_space<vmem>>, vector<16xf32>,
      %parallel_loop3A_637 = arith.index_cast %parallel_loop3A_624 : i32 to index
      %parallel_loop3A_638 = tpu.vector_load %arg13[%parallel_loop3A_637] {strides = array<i32>} : memref<2080xf32, #tpu.memory_space<vmem>>, vector<16xf32>,
      tpu.vector_store %arg13[%parallel_loop3A_637], %parallel_loop3A_636 {strides = array<i32>} : memref<2080xf32, #tpu.memory_space<vmem>>, vector<16xf32>,
    } {sc.loop_unroll_factor = 8 : i64, sc.parallel_access}
    %get3A_318 = arith.constant 16 : index
    %get3A_319 = tpu.vector_load %arg12[%get3A_318] {strides = array<i32>} : memref<2080xf32, #tpu.memory_space<vmem>>, vector<16xf32>,
    %eq3A_320 = arith.constant 0 : i32
    %eq3A_321 = vector.broadcast %eq3A_320 : i32 to vector<16xi32>
    %eq3A_322 = arith.cmpi eq, %iota3A, %eq3A_321 : vector<16xi32>
    %jit3A_323 = arith.constant -3.000000e+38 : f32
    %broadcast_in_dim3A_324 = vector.broadcast %jit3A_323 : f32 to vector<16xf32>
    %select_n3A_325 = arith.select %eq3A_322, %broadcast_in_dim3A_324, %get3A_319 : vector<16xi1>, vector<16xf32>
    %swap3A_326 = arith.constant 16 : index
    %swap3A_327 = tpu.vector_load %arg12[%swap3A_326] {strides = array<i32>} : memref<2080xf32, #tpu.memory_space<vmem>>, vector<16xf32>,
    tpu.vector_store %arg12[%swap3A_326], %select_n3A_325 {strides = array<i32>} : memref<2080xf32, #tpu.memory_space<vmem>>, vector<16xf32>,
    %broadcast_in_dim3A_328 = arith.constant 0xFF800000 : f32
    %broadcast_in_dim3A_329 = vector.broadcast %broadcast_in_dim3A_328 : f32 to vector<16xf32>
    %parallel_loop3A_330 = arith.constant 0 : i32
    %parallel_loop3A_331 = arith.constant 128 : i32
    %parallel_loop3A_332 = arith.constant 1 : i32
    %parallel_loop3A_333:4 = scf.for %parallel_loop3A_622 = %parallel_loop3A_330 to %parallel_loop3A_331 step %parallel_loop3A_332 iter_args(%parallel_loop3A_623 = %broadcast_in_dim3A_329, %parallel_loop3A_624 = %broadcast_in_dim3A_7, %parallel_loop3A_625 = %broadcast_in_dim3A_329, %parallel_loop3A_626 = %broadcast_in_dim3A_7) -> (vector<16xf32>, vector<16xi32>, vector<16xf32>, vector<16xi32>)  : i32 {
      %parallel_loop3A_627 = arith.constant 16 : i32
      %parallel_loop3A_628 = arith.muli %parallel_loop3A_622, %parallel_loop3A_627 : i32
      %parallel_loop3A_629 = arith.constant 0 : i32
      %parallel_loop3A_630 = arith.addi %parallel_loop3A_628, %parallel_loop3A_629 : i32
      %parallel_loop3A_631 = arith.index_cast %parallel_loop3A_630 : i32 to index
      %parallel_loop3A_632 = tpu.vector_load %arg13[%parallel_loop3A_631] {strides = array<i32>} : memref<2080xf32, #tpu.memory_space<vmem>>, vector<16xf32>,
      %parallel_loop3A_633 = arith.constant 1 : i32
      %parallel_loop3A_634 = arith.addi %parallel_loop3A_628, %parallel_loop3A_633 : i32
      %parallel_loop3A_635 = arith.index_cast %parallel_loop3A_634 : i32 to index
      %parallel_loop3A_636 = tpu.vector_load %arg13[%parallel_loop3A_635] {strides = array<i32>} : memref<2080xf32, #tpu.memory_space<vmem>>, vector<16xf32>,
      %parallel_loop3A_637 = arith.constant 2 : i32
      %parallel_loop3A_638 = arith.addi %parallel_loop3A_628, %parallel_loop3A_637 : i32
      %parallel_loop3A_639 = arith.index_cast %parallel_loop3A_638 : i32 to index
      %parallel_loop3A_640 = tpu.vector_load %arg13[%parallel_loop3A_639] {strides = array<i32>} : memref<2080xf32, #tpu.memory_space<vmem>>, vector<16xf32>,
      %parallel_loop3A_641 = arith.constant 3 : i32
      %parallel_loop3A_642 = arith.addi %parallel_loop3A_628, %parallel_loop3A_641 : i32
      %parallel_loop3A_643 = arith.index_cast %parallel_loop3A_642 : i32 to index
      %parallel_loop3A_644 = tpu.vector_load %arg13[%parallel_loop3A_643] {strides = array<i32>} : memref<2080xf32, #tpu.memory_space<vmem>>, vector<16xf32>,
      %parallel_loop3A_645 = arith.constant 4 : i32
      %parallel_loop3A_646 = arith.addi %parallel_loop3A_628, %parallel_loop3A_645 : i32
      %parallel_loop3A_647 = arith.index_cast %parallel_loop3A_646 : i32 to index
      %parallel_loop3A_648 = tpu.vector_load %arg13[%parallel_loop3A_647] {strides = array<i32>} : memref<2080xf32, #tpu.memory_space<vmem>>, vector<16xf32>,
      %parallel_loop3A_649 = arith.constant 5 : i32
      %parallel_loop3A_650 = arith.addi %parallel_loop3A_628, %parallel_loop3A_649 : i32
      %parallel_loop3A_651 = arith.index_cast %parallel_loop3A_650 : i32 to index
      %parallel_loop3A_652 = tpu.vector_load %arg13[%parallel_loop3A_651] {strides = array<i32>} : memref<2080xf32, #tpu.memory_space<vmem>>, vector<16xf32>,
      %parallel_loop3A_653 = arith.constant 6 : i32
      %parallel_loop3A_654 = arith.addi %parallel_loop3A_628, %parallel_loop3A_653 : i32
      %parallel_loop3A_655 = arith.index_cast %parallel_loop3A_654 : i32 to index
      %parallel_loop3A_656 = tpu.vector_load %arg13[%parallel_loop3A_655] {strides = array<i32>} : memref<2080xf32, #tpu.memory_space<vmem>>, vector<16xf32>,
      %parallel_loop3A_657 = arith.constant 7 : i32
      %parallel_loop3A_658 = arith.addi %parallel_loop3A_628, %parallel_loop3A_657 : i32
      %parallel_loop3A_659 = arith.index_cast %parallel_loop3A_658 : i32 to index
      %parallel_loop3A_660 = tpu.vector_load %arg13[%parallel_loop3A_659] {strides = array<i32>} : memref<2080xf32, #tpu.memory_space<vmem>>, vector<16xf32>,
      %parallel_loop3A_661 = arith.constant 8 : i32
      %parallel_loop3A_662 = arith.addi %parallel_loop3A_628, %parallel_loop3A_661 : i32
      %parallel_loop3A_663 = arith.index_cast %parallel_loop3A_662 : i32 to index
      %parallel_loop3A_664 = tpu.vector_load %arg13[%parallel_loop3A_663] {strides = array<i32>} : memref<2080xf32, #tpu.memory_space<vmem>>, vector<16xf32>,
      %parallel_loop3A_665 = arith.constant 9 : i32
      %parallel_loop3A_666 = arith.addi %parallel_loop3A_628, %parallel_loop3A_665 : i32
      %parallel_loop3A_667 = arith.index_cast %parallel_loop3A_666 : i32 to index
      %parallel_loop3A_668 = tpu.vector_load %arg13[%parallel_loop3A_667] {strides = array<i32>} : memref<2080xf32, #tpu.memory_space<vmem>>, vector<16xf32>,
      %parallel_loop3A_669 = arith.constant 10 : i32
      %parallel_loop3A_670 = arith.addi %parallel_loop3A_628, %parallel_loop3A_669 : i32
      %parallel_loop3A_671 = arith.index_cast %parallel_loop3A_670 : i32 to index
      %parallel_loop3A_672 = tpu.vector_load %arg13[%parallel_loop3A_671] {strides = array<i32>} : memref<2080xf32, #tpu.memory_space<vmem>>, vector<16xf32>,
      %parallel_loop3A_673 = arith.constant 11 : i32
      %parallel_loop3A_674 = arith.addi %parallel_loop3A_628, %parallel_loop3A_673 : i32
      %parallel_loop3A_675 = arith.index_cast %parallel_loop3A_674 : i32 to index
      %parallel_loop3A_676 = tpu.vector_load %arg13[%parallel_loop3A_675] {strides = array<i32>} : memref<2080xf32, #tpu.memory_space<vmem>>, vector<16xf32>,
      %parallel_loop3A_677 = arith.constant 12 : i32
      %parallel_loop3A_678 = arith.addi %parallel_loop3A_628, %parallel_loop3A_677 : i32
      %parallel_loop3A_679 = arith.index_cast %parallel_loop3A_678 : i32 to index
      %parallel_loop3A_680 = tpu.vector_load %arg13[%parallel_loop3A_679] {strides = array<i32>} : memref<2080xf32, #tpu.memory_space<vmem>>, vector<16xf32>,
      %parallel_loop3A_681 = arith.constant 13 : i32
      %parallel_loop3A_682 = arith.addi %parallel_loop3A_628, %parallel_loop3A_681 : i32
      %parallel_loop3A_683 = arith.index_cast %parallel_loop3A_682 : i32 to index
      %parallel_loop3A_684 = tpu.vector_load %arg13[%parallel_loop3A_683] {strides = array<i32>} : memref<2080xf32, #tpu.memory_space<vmem>>, vector<16xf32>,
      %parallel_loop3A_685 = arith.constant 14 : i32
      %parallel_loop3A_686 = arith.addi %parallel_loop3A_628, %parallel_loop3A_685 : i32
      %parallel_loop3A_687 = arith.index_cast %parallel_loop3A_686 : i32 to index
      %parallel_loop3A_688 = tpu.vector_load %arg13[%parallel_loop3A_687] {strides = array<i32>} : memref<2080xf32, #tpu.memory_space<vmem>>, vector<16xf32>,
      %parallel_loop3A_689 = arith.maximumf %parallel_loop3A_632, %parallel_loop3A_636 : vector<16xf32>
      %parallel_loop3A_690 = arith.maximumf %parallel_loop3A_640, %parallel_loop3A_644 : vector<16xf32>
      %parallel_loop3A_691 = arith.maximumf %parallel_loop3A_648, %parallel_loop3A_652 : vector<16xf32>
      %parallel_loop3A_692 = arith.maximumf %parallel_loop3A_656, %parallel_loop3A_660 : vector<16xf32>
      %parallel_loop3A_693 = arith.maximumf %parallel_loop3A_664, %parallel_loop3A_668 : vector<16xf32>
      %parallel_loop3A_694 = arith.maximumf %parallel_loop3A_672, %parallel_loop3A_676 : vector<16xf32>
      %parallel_loop3A_695 = arith.maximumf %parallel_loop3A_680, %parallel_loop3A_684 : vector<16xf32>
      %parallel_loop3A_696 = arith.maximumf %parallel_loop3A_689, %parallel_loop3A_690 : vector<16xf32>
      %parallel_loop3A_697 = arith.maximumf %parallel_loop3A_691, %parallel_loop3A_692 : vector<16xf32>
      %parallel_loop3A_698 = arith.maximumf %parallel_loop3A_693, %parallel_loop3A_694 : vector<16xf32>
      %parallel_loop3A_699 = arith.maximumf %parallel_loop3A_695, %parallel_loop3A_688 : vector<16xf32>
      %parallel_loop3A_700 = arith.maximumf %parallel_loop3A_696, %parallel_loop3A_697 : vector<16xf32>
      %parallel_loop3A_701 = arith.maximumf %parallel_loop3A_698, %parallel_loop3A_699 : vector<16xf32>
      %parallel_loop3A_702 = arith.maximumf %parallel_loop3A_700, %parallel_loop3A_701 : vector<16xf32>
      %parallel_loop3A_703 = arith.constant 2 : i32
      %parallel_loop3A_704 = arith.addi %parallel_loop3A_628, %parallel_loop3A_703 : i32
      %parallel_loop3A_705 = arith.index_cast %parallel_loop3A_704 : i32 to index
      %parallel_loop3A_706 = tpu.vector_load %arg12[%parallel_loop3A_705] {strides = array<i32>} : memref<2080xf32, #tpu.memory_space<vmem>>, vector<16xf32>,
      %parallel_loop3A_707 = arith.constant 3 : i32
      %parallel_loop3A_708 = arith.addi %parallel_loop3A_628, %parallel_loop3A_707 : i32
      %parallel_loop3A_709 = arith.index_cast %parallel_loop3A_708 : i32 to index
      %parallel_loop3A_710 = tpu.vector_load %arg12[%parallel_loop3A_709] {strides = array<i32>} : memref<2080xf32, #tpu.memory_space<vmem>>, vector<16xf32>,
      %parallel_loop3A_711 = arith.constant 4 : i32
      %parallel_loop3A_712 = arith.addi %parallel_loop3A_628, %parallel_loop3A_711 : i32
      %parallel_loop3A_713 = arith.index_cast %parallel_loop3A_712 : i32 to index
      %parallel_loop3A_714 = tpu.vector_load %arg12[%parallel_loop3A_713] {strides = array<i32>} : memref<2080xf32, #tpu.memory_space<vmem>>, vector<16xf32>,
      %parallel_loop3A_715 = arith.constant 5 : i32
      %parallel_loop3A_716 = arith.addi %parallel_loop3A_628, %parallel_loop3A_715 : i32
      %parallel_loop3A_717 = arith.index_cast %parallel_loop3A_716 : i32 to index
      %parallel_loop3A_718 = tpu.vector_load %arg12[%parallel_loop3A_717] {strides = array<i32>} : memref<2080xf32, #tpu.memory_space<vmem>>, vector<16xf32>,
      %parallel_loop3A_719 = arith.constant 6 : i32
      %parallel_loop3A_720 = arith.addi %parallel_loop3A_628, %parallel_loop3A_719 : i32
      %parallel_loop3A_721 = arith.index_cast %parallel_loop3A_720 : i32 to index
      %parallel_loop3A_722 = tpu.vector_load %arg12[%parallel_loop3A_721] {strides = array<i32>} : memref<2080xf32, #tpu.memory_space<vmem>>, vector<16xf32>,
      %parallel_loop3A_723 = arith.constant 7 : i32
      %parallel_loop3A_724 = arith.addi %parallel_loop3A_628, %parallel_loop3A_723 : i32
      %parallel_loop3A_725 = arith.index_cast %parallel_loop3A_724 : i32 to index
      %parallel_loop3A_726 = tpu.vector_load %arg12[%parallel_loop3A_725] {strides = array<i32>} : memref<2080xf32, #tpu.memory_space<vmem>>, vector<16xf32>,
      %parallel_loop3A_727 = arith.constant 8 : i32
      %parallel_loop3A_728 = arith.addi %parallel_loop3A_628, %parallel_loop3A_727 : i32
      %parallel_loop3A_729 = arith.index_cast %parallel_loop3A_728 : i32 to index
      %parallel_loop3A_730 = tpu.vector_load %arg12[%parallel_loop3A_729] {strides = array<i32>} : memref<2080xf32, #tpu.memory_space<vmem>>, vector<16xf32>,
      %parallel_loop3A_731 = arith.constant 9 : i32
      %parallel_loop3A_732 = arith.addi %parallel_loop3A_628, %parallel_loop3A_731 : i32
      %parallel_loop3A_733 = arith.index_cast %parallel_loop3A_732 : i32 to index
      %parallel_loop3A_734 = tpu.vector_load %arg12[%parallel_loop3A_733] {strides = array<i32>} : memref<2080xf32, #tpu.memory_space<vmem>>, vector<16xf32>,
      %parallel_loop3A_735 = arith.constant 10 : i32
      %parallel_loop3A_736 = arith.addi %parallel_loop3A_628, %parallel_loop3A_735 : i32
      %parallel_loop3A_737 = arith.index_cast %parallel_loop3A_736 : i32 to index
      %parallel_loop3A_738 = tpu.vector_load %arg12[%parallel_loop3A_737] {strides = array<i32>} : memref<2080xf32, #tpu.memory_space<vmem>>, vector<16xf32>,
      %parallel_loop3A_739 = arith.constant 11 : i32
      %parallel_loop3A_740 = arith.addi %parallel_loop3A_628, %parallel_loop3A_739 : i32
      %parallel_loop3A_741 = arith.index_cast %parallel_loop3A_740 : i32 to index
      %parallel_loop3A_742 = tpu.vector_load %arg12[%parallel_loop3A_741] {strides = array<i32>} : memref<2080xf32, #tpu.memory_space<vmem>>, vector<16xf32>,
      %parallel_loop3A_743 = arith.constant 12 : i32
      %parallel_loop3A_744 = arith.addi %parallel_loop3A_628, %parallel_loop3A_743 : i32
      %parallel_loop3A_745 = arith.index_cast %parallel_loop3A_744 : i32 to index
      %parallel_loop3A_746 = tpu.vector_load %arg12[%parallel_loop3A_745] {strides = array<i32>} : memref<2080xf32, #tpu.memory_space<vmem>>, vector<16xf32>,
      %parallel_loop3A_747 = arith.constant 13 : i32
      %parallel_loop3A_748 = arith.addi %parallel_loop3A_628, %parallel_loop3A_747 : i32
      %parallel_loop3A_749 = arith.index_cast %parallel_loop3A_748 : i32 to index
      %parallel_loop3A_750 = tpu.vector_load %arg12[%parallel_loop3A_749] {strides = array<i32>} : memref<2080xf32, #tpu.memory_space<vmem>>, vector<16xf32>,
      %parallel_loop3A_751 = arith.constant 14 : i32
      %parallel_loop3A_752 = arith.addi %parallel_loop3A_628, %parallel_loop3A_751 : i32
      %parallel_loop3A_753 = arith.index_cast %parallel_loop3A_752 : i32 to index
      %parallel_loop3A_754 = tpu.vector_load %arg12[%parallel_loop3A_753] {strides = array<i32>} : memref<2080xf32, #tpu.memory_space<vmem>>, vector<16xf32>,
      %parallel_loop3A_755 = arith.constant 15 : i32
      %parallel_loop3A_756 = arith.addi %parallel_loop3A_628, %parallel_loop3A_755 : i32
      %parallel_loop3A_757 = arith.index_cast %parallel_loop3A_756 : i32 to index
      %parallel_loop3A_758 = tpu.vector_load %arg12[%parallel_loop3A_757] {strides = array<i32>} : memref<2080xf32, #tpu.memory_space<vmem>>, vector<16xf32>,
      %parallel_loop3A_759 = arith.constant 16 : i32
      %parallel_loop3A_760 = arith.addi %parallel_loop3A_628, %parallel_loop3A_759 : i32
      %parallel_loop3A_761 = arith.index_cast %parallel_loop3A_760 : i32 to index
      %parallel_loop3A_762 = tpu.vector_load %arg12[%parallel_loop3A_761] {strides = array<i32>} : memref<2080xf32, #tpu.memory_space<vmem>>, vector<16xf32>,
      %parallel_loop3A_763 = arith.maximumf %parallel_loop3A_706, %parallel_loop3A_710 : vector<16xf32>
      %parallel_loop3A_764 = arith.maximumf %parallel_loop3A_714, %parallel_loop3A_718 : vector<16xf32>
      %parallel_loop3A_765 = arith.maximumf %parallel_loop3A_722, %parallel_loop3A_726 : vector<16xf32>
      %parallel_loop3A_766 = arith.maximumf %parallel_loop3A_730, %parallel_loop3A_734 : vector<16xf32>
      %parallel_loop3A_767 = arith.maximumf %parallel_loop3A_738, %parallel_loop3A_742 : vector<16xf32>
      %parallel_loop3A_768 = arith.maximumf %parallel_loop3A_746, %parallel_loop3A_750 : vector<16xf32>
      %parallel_loop3A_769 = arith.maximumf %parallel_loop3A_754, %parallel_loop3A_758 : vector<16xf32>
      %parallel_loop3A_770 = arith.maximumf %parallel_loop3A_763, %parallel_loop3A_764 : vector<16xf32>
      %parallel_loop3A_771 = arith.maximumf %parallel_loop3A_765, %parallel_loop3A_766 : vector<16xf32>
      %parallel_loop3A_772 = arith.maximumf %parallel_loop3A_767, %parallel_loop3A_768 : vector<16xf32>
      %parallel_loop3A_773 = arith.maximumf %parallel_loop3A_769, %parallel_loop3A_762 : vector<16xf32>
      %parallel_loop3A_774 = arith.maximumf %parallel_loop3A_770, %parallel_loop3A_771 : vector<16xf32>
      %parallel_loop3A_775 = arith.maximumf %parallel_loop3A_772, %parallel_loop3A_773 : vector<16xf32>
      %parallel_loop3A_776 = arith.maximumf %parallel_loop3A_774, %parallel_loop3A_775 : vector<16xf32>
      %parallel_loop3A_777 = arith.addf %parallel_loop3A_762, %parallel_loop3A_702 : vector<16xf32>
      %parallel_loop3A_778 = arith.addf %parallel_loop3A_632, %parallel_loop3A_776 : vector<16xf32>
      %parallel_loop3A_779 = vector.broadcast %parallel_loop3A_628 : i32 to vector<16xi32>
      %parallel_loop3A_780 = arith.addi %iota3A, %parallel_loop3A_779 : vector<16xi32>
      %parallel_loop3A_781 = arith.cmpf ogt, %parallel_loop3A_777, %parallel_loop3A_623 : vector<16xf32>
      %parallel_loop3A_782 = arith.select %parallel_loop3A_781, %parallel_loop3A_777, %parallel_loop3A_623 : vector<16xi1>, vector<16xf32>
      %parallel_loop3A_783 = arith.select %parallel_loop3A_781, %parallel_loop3A_780, %parallel_loop3A_624 : vector<16xi1>, vector<16xi32>
      %parallel_loop3A_784 = arith.cmpf ogt, %parallel_loop3A_778, %parallel_loop3A_625 : vector<16xf32>
      %parallel_loop3A_785 = arith.select %parallel_loop3A_784, %parallel_loop3A_778, %parallel_loop3A_625 : vector<16xi1>, vector<16xf32>
      %parallel_loop3A_786 = arith.select %parallel_loop3A_784, %parallel_loop3A_780, %parallel_loop3A_626 : vector<16xi1>, vector<16xi32>
      scf.yield %parallel_loop3A_782, %parallel_loop3A_783, %parallel_loop3A_785, %parallel_loop3A_786 : vector<16xf32>, vector<16xi32>, vector<16xf32>, vector<16xi32>
    } {sc.loop_unroll_factor = 2 : i64, sc.parallel_access}
    %xor3A_334 = arith.constant 8 : i32
    %xor3A_335 = vector.broadcast %xor3A_334 : i32 to vector<16xi32>
    %xor3A_336 = arith.xori %iota3A, %xor3A_335 : vector<16xi32>
    %lt3A_337 = arith.constant 0 : i32
    %lt3A_338 = vector.broadcast %lt3A_337 : i32 to vector<16xi32>
    %lt3A_339 = arith.cmpi slt, %xor3A_336, %lt3A_338 : vector<16xi32>
    %add3A_340 = arith.constant 16 : i32
    %add3A_341 = vector.broadcast %add3A_340 : i32 to vector<16xi32>
    %add3A_342 = arith.addi %xor3A_336, %add3A_341 : vector<16xi32>
    %select_n3A_343 = arith.select %lt3A_339, %add3A_342, %xor3A_336 : vector<16xi1>, vector<16xi32>
    %broadcast_in_dim3A_344 = vector.shape_cast %select_n3A_343 : vector<16xi32> to vector<16x1xi32>
    %gather3A_345 = vector.shape_cast %broadcast_in_dim3A_344 : vector<16x1xi32> to vector<16xi32>
    %gather3A_346 = tpu.dynamic_gather %parallel_loop3A_333#0[%gather3A_345] in [0] : vector<16xf32>, vector<16xi32> -> vector<16xf32>
    %max3A_347 = arith.maximumf %parallel_loop3A_333#0, %gather3A_346 : vector<16xf32>
    %xor3A_348 = arith.constant 4 : i32
    %xor3A_349 = vector.broadcast %xor3A_348 : i32 to vector<16xi32>
    %xor3A_350 = arith.xori %iota3A, %xor3A_349 : vector<16xi32>
    %lt3A_351 = arith.constant 0 : i32
    %lt3A_352 = vector.broadcast %lt3A_351 : i32 to vector<16xi32>
    %lt3A_353 = arith.cmpi slt, %xor3A_350, %lt3A_352 : vector<16xi32>
    %add3A_354 = arith.constant 16 : i32
    %add3A_355 = vector.broadcast %add3A_354 : i32 to vector<16xi32>
    %add3A_356 = arith.addi %xor3A_350, %add3A_355 : vector<16xi32>
    %select_n3A_357 = arith.select %lt3A_353, %add3A_356, %xor3A_350 : vector<16xi1>, vector<16xi32>
    %broadcast_in_dim3A_358 = vector.shape_cast %select_n3A_357 : vector<16xi32> to vector<16x1xi32>
    %gather3A_359 = vector.shape_cast %broadcast_in_dim3A_358 : vector<16x1xi32> to vector<16xi32>
    %gather3A_360 = tpu.dynamic_gather %max3A_347[%gather3A_359] in [0] : vector<16xf32>, vector<16xi32> -> vector<16xf32>
    %max3A_361 = arith.maximumf %max3A_347, %gather3A_360 : vector<16xf32>
    %xor3A_362 = arith.constant 2 : i32
    %xor3A_363 = vector.broadcast %xor3A_362 : i32 to vector<16xi32>
    %xor3A_364 = arith.xori %iota3A, %xor3A_363 : vector<16xi32>
    %lt3A_365 = arith.constant 0 : i32
    %lt3A_366 = vector.broadcast %lt3A_365 : i32 to vector<16xi32>
    %lt3A_367 = arith.cmpi slt, %xor3A_364, %lt3A_366 : vector<16xi32>
    %add3A_368 = arith.constant 16 : i32
    %add3A_369 = vector.broadcast %add3A_368 : i32 to vector<16xi32>
    %add3A_370 = arith.addi %xor3A_364, %add3A_369 : vector<16xi32>
    %select_n3A_371 = arith.select %lt3A_367, %add3A_370, %xor3A_364 : vector<16xi1>, vector<16xi32>
    %broadcast_in_dim3A_372 = vector.shape_cast %select_n3A_371 : vector<16xi32> to vector<16x1xi32>
    %gather3A_373 = vector.shape_cast %broadcast_in_dim3A_372 : vector<16x1xi32> to vector<16xi32>
    %gather3A_374 = tpu.dynamic_gather %max3A_361[%gather3A_373] in [0] : vector<16xf32>, vector<16xi32> -> vector<16xf32>
    %max3A_375 = arith.maximumf %max3A_361, %gather3A_374 : vector<16xf32>
    %xor3A_376 = arith.constant 1 : i32
    %xor3A_377 = vector.broadcast %xor3A_376 : i32 to vector<16xi32>
    %xor3A_378 = arith.xori %iota3A, %xor3A_377 : vector<16xi32>
    %lt3A_379 = arith.constant 0 : i32
    %lt3A_380 = vector.broadcast %lt3A_379 : i32 to vector<16xi32>
    %lt3A_381 = arith.cmpi slt, %xor3A_378, %lt3A_380 : vector<16xi32>
    %add3A_382 = arith.constant 16 : i32
    %add3A_383 = vector.broadcast %add3A_382 : i32 to vector<16xi32>
    %add3A_384 = arith.addi %xor3A_378, %add3A_383 : vector<16xi32>
    %select_n3A_385 = arith.select %lt3A_381, %add3A_384, %xor3A_378 : vector<16xi1>, vector<16xi32>
    %broadcast_in_dim3A_386 = vector.shape_cast %select_n3A_385 : vector<16xi32> to vector<16x1xi32>
    %gather3A_387 = vector.shape_cast %broadcast_in_dim3A_386 : vector<16x1xi32> to vector<16xi32>
    %gather3A_388 = tpu.dynamic_gather %max3A_375[%gather3A_387] in [0] : vector<16xf32>, vector<16xi32> -> vector<16xf32>
    %max3A_389 = arith.maximumf %max3A_375, %gather3A_388 : vector<16xf32>
    %eq3A_390 = arith.cmpf oeq, %parallel_loop3A_333#0, %max3A_389 : vector<16xf32>
    %jit3A_391 = arith.constant 2048 : i32
    %broadcast_in_dim3A_392 = vector.broadcast %jit3A_391 : i32 to vector<16xi32>
    %select_n3A_393 = arith.select %eq3A_390, %parallel_loop3A_333#1, %broadcast_in_dim3A_392 : vector<16xi1>, vector<16xi32>
    %xor3A_394 = arith.constant 8 : i32
    %xor3A_395 = vector.broadcast %xor3A_394 : i32 to vector<16xi32>
    %xor3A_396 = arith.xori %iota3A, %xor3A_395 : vector<16xi32>
    %lt3A_397 = arith.constant 0 : i32
    %lt3A_398 = vector.broadcast %lt3A_397 : i32 to vector<16xi32>
    %lt3A_399 = arith.cmpi slt, %xor3A_396, %lt3A_398 : vector<16xi32>
    %add3A_400 = arith.constant 16 : i32
    %add3A_401 = vector.broadcast %add3A_400 : i32 to vector<16xi32>
    %add3A_402 = arith.addi %xor3A_396, %add3A_401 : vector<16xi32>
    %select_n3A_403 = arith.select %lt3A_399, %add3A_402, %xor3A_396 : vector<16xi1>, vector<16xi32>
    %broadcast_in_dim3A_404 = vector.shape_cast %select_n3A_403 : vector<16xi32> to vector<16x1xi32>
    %gather3A_405 = vector.shape_cast %broadcast_in_dim3A_404 : vector<16x1xi32> to vector<16xi32>
    %gather3A_406 = tpu.dynamic_gather %select_n3A_393[%gather3A_405] in [0] : vector<16xi32>, vector<16xi32> -> vector<16xi32>
    %min3A_407 = arith.minsi %select_n3A_393, %gather3A_406 : vector<16xi32>
    %xor3A_408 = arith.constant 4 : i32
    %xor3A_409 = vector.broadcast %xor3A_408 : i32 to vector<16xi32>
    %xor3A_410 = arith.xori %iota3A, %xor3A_409 : vector<16xi32>
    %lt3A_411 = arith.constant 0 : i32
    %lt3A_412 = vector.broadcast %lt3A_411 : i32 to vector<16xi32>
    %lt3A_413 = arith.cmpi slt, %xor3A_410, %lt3A_412 : vector<16xi32>
    %add3A_414 = arith.constant 16 : i32
    %add3A_415 = vector.broadcast %add3A_414 : i32 to vector<16xi32>
    %add3A_416 = arith.addi %xor3A_410, %add3A_415 : vector<16xi32>
    %select_n3A_417 = arith.select %lt3A_413, %add3A_416, %xor3A_410 : vector<16xi1>, vector<16xi32>
    %broadcast_in_dim3A_418 = vector.shape_cast %select_n3A_417 : vector<16xi32> to vector<16x1xi32>
    %gather3A_419 = vector.shape_cast %broadcast_in_dim3A_418 : vector<16x1xi32> to vector<16xi32>
    %gather3A_420 = tpu.dynamic_gather %min3A_407[%gather3A_419] in [0] : vector<16xi32>, vector<16xi32> -> vector<16xi32>
    %min3A_421 = arith.minsi %min3A_407, %gather3A_420 : vector<16xi32>
    %xor3A_422 = arith.constant 2 : i32
    %xor3A_423 = vector.broadcast %xor3A_422 : i32 to vector<16xi32>
    %xor3A_424 = arith.xori %iota3A, %xor3A_423 : vector<16xi32>
    %lt3A_425 = arith.constant 0 : i32
    %lt3A_426 = vector.broadcast %lt3A_425 : i32 to vector<16xi32>
    %lt3A_427 = arith.cmpi slt, %xor3A_424, %lt3A_426 : vector<16xi32>
    %add3A_428 = arith.constant 16 : i32
    %add3A_429 = vector.broadcast %add3A_428 : i32 to vector<16xi32>
    %add3A_430 = arith.addi %xor3A_424, %add3A_429 : vector<16xi32>
    %select_n3A_431 = arith.select %lt3A_427, %add3A_430, %xor3A_424 : vector<16xi1>, vector<16xi32>
    %broadcast_in_dim3A_432 = vector.shape_cast %select_n3A_431 : vector<16xi32> to vector<16x1xi32>
    %gather3A_433 = vector.shape_cast %broadcast_in_dim3A_432 : vector<16x1xi32> to vector<16xi32>
    %gather3A_434 = tpu.dynamic_gather %min3A_421[%gather3A_433] in [0] : vector<16xi32>, vector<16xi32> -> vector<16xi32>
    %min3A_435 = arith.minsi %min3A_421, %gather3A_434 : vector<16xi32>
    %xor3A_436 = arith.constant 1 : i32
    %xor3A_437 = vector.broadcast %xor3A_436 : i32 to vector<16xi32>
    %xor3A_438 = arith.xori %iota3A, %xor3A_437 : vector<16xi32>
    %lt3A_439 = arith.constant 0 : i32
    %lt3A_440 = vector.broadcast %lt3A_439 : i32 to vector<16xi32>
    %lt3A_441 = arith.cmpi slt, %xor3A_438, %lt3A_440 : vector<16xi32>
    %add3A_442 = arith.constant 16 : i32
    %add3A_443 = vector.broadcast %add3A_442 : i32 to vector<16xi32>
    %add3A_444 = arith.addi %xor3A_438, %add3A_443 : vector<16xi32>
    %select_n3A_445 = arith.select %lt3A_441, %add3A_444, %xor3A_438 : vector<16xi1>, vector<16xi32>
    %broadcast_in_dim3A_446 = vector.shape_cast %select_n3A_445 : vector<16xi32> to vector<16x1xi32>
    %gather3A_447 = vector.shape_cast %broadcast_in_dim3A_446 : vector<16x1xi32> to vector<16xi32>
    %gather3A_448 = tpu.dynamic_gather %min3A_435[%gather3A_447] in [0] : vector<16xi32>, vector<16xi32> -> vector<16xi32>
    %min3A_449 = arith.minsi %min3A_435, %gather3A_448 : vector<16xi32>
    %xor3A_450 = arith.constant 8 : i32
    %xor3A_451 = vector.broadcast %xor3A_450 : i32 to vector<16xi32>
    %xor3A_452 = arith.xori %iota3A, %xor3A_451 : vector<16xi32>
    %lt3A_453 = arith.constant 0 : i32
    %lt3A_454 = vector.broadcast %lt3A_453 : i32 to vector<16xi32>
    %lt3A_455 = arith.cmpi slt, %xor3A_452, %lt3A_454 : vector<16xi32>
    %add3A_456 = arith.constant 16 : i32
    %add3A_457 = vector.broadcast %add3A_456 : i32 to vector<16xi32>
    %add3A_458 = arith.addi %xor3A_452, %add3A_457 : vector<16xi32>
    %select_n3A_459 = arith.select %lt3A_455, %add3A_458, %xor3A_452 : vector<16xi1>, vector<16xi32>
    %broadcast_in_dim3A_460 = vector.shape_cast %select_n3A_459 : vector<16xi32> to vector<16x1xi32>
    %gather3A_461 = vector.shape_cast %broadcast_in_dim3A_460 : vector<16x1xi32> to vector<16xi32>
    %gather3A_462 = tpu.dynamic_gather %parallel_loop3A_333#2[%gather3A_461] in [0] : vector<16xf32>, vector<16xi32> -> vector<16xf32>
    %max3A_463 = arith.maximumf %parallel_loop3A_333#2, %gather3A_462 : vector<16xf32>
    %xor3A_464 = arith.constant 4 : i32
    %xor3A_465 = vector.broadcast %xor3A_464 : i32 to vector<16xi32>
    %xor3A_466 = arith.xori %iota3A, %xor3A_465 : vector<16xi32>
    %lt3A_467 = arith.constant 0 : i32
    %lt3A_468 = vector.broadcast %lt3A_467 : i32 to vector<16xi32>
    %lt3A_469 = arith.cmpi slt, %xor3A_466, %lt3A_468 : vector<16xi32>
    %add3A_470 = arith.constant 16 : i32
    %add3A_471 = vector.broadcast %add3A_470 : i32 to vector<16xi32>
    %add3A_472 = arith.addi %xor3A_466, %add3A_471 : vector<16xi32>
    %select_n3A_473 = arith.select %lt3A_469, %add3A_472, %xor3A_466 : vector<16xi1>, vector<16xi32>
    %broadcast_in_dim3A_474 = vector.shape_cast %select_n3A_473 : vector<16xi32> to vector<16x1xi32>
    %gather3A_475 = vector.shape_cast %broadcast_in_dim3A_474 : vector<16x1xi32> to vector<16xi32>
    %gather3A_476 = tpu.dynamic_gather %max3A_463[%gather3A_475] in [0] : vector<16xf32>, vector<16xi32> -> vector<16xf32>
    %max3A_477 = arith.maximumf %max3A_463, %gather3A_476 : vector<16xf32>
    %xor3A_478 = arith.constant 2 : i32
    %xor3A_479 = vector.broadcast %xor3A_478 : i32 to vector<16xi32>
    %xor3A_480 = arith.xori %iota3A, %xor3A_479 : vector<16xi32>
    %lt3A_481 = arith.constant 0 : i32
    %lt3A_482 = vector.broadcast %lt3A_481 : i32 to vector<16xi32>
    %lt3A_483 = arith.cmpi slt, %xor3A_480, %lt3A_482 : vector<16xi32>
    %add3A_484 = arith.constant 16 : i32
    %add3A_485 = vector.broadcast %add3A_484 : i32 to vector<16xi32>
    %add3A_486 = arith.addi %xor3A_480, %add3A_485 : vector<16xi32>
    %select_n3A_487 = arith.select %lt3A_483, %add3A_486, %xor3A_480 : vector<16xi1>, vector<16xi32>
    %broadcast_in_dim3A_488 = vector.shape_cast %select_n3A_487 : vector<16xi32> to vector<16x1xi32>
    %gather3A_489 = vector.shape_cast %broadcast_in_dim3A_488 : vector<16x1xi32> to vector<16xi32>
    %gather3A_490 = tpu.dynamic_gather %max3A_477[%gather3A_489] in [0] : vector<16xf32>, vector<16xi32> -> vector<16xf32>
    %max3A_491 = arith.maximumf %max3A_477, %gather3A_490 : vector<16xf32>
    %xor3A_492 = arith.constant 1 : i32
    %xor3A_493 = vector.broadcast %xor3A_492 : i32 to vector<16xi32>
    %xor3A_494 = arith.xori %iota3A, %xor3A_493 : vector<16xi32>
    %lt3A_495 = arith.constant 0 : i32
    %lt3A_496 = vector.broadcast %lt3A_495 : i32 to vector<16xi32>
    %lt3A_497 = arith.cmpi slt, %xor3A_494, %lt3A_496 : vector<16xi32>
    %add3A_498 = arith.constant 16 : i32
    %add3A_499 = vector.broadcast %add3A_498 : i32 to vector<16xi32>
    %add3A_500 = arith.addi %xor3A_494, %add3A_499 : vector<16xi32>
    %select_n3A_501 = arith.select %lt3A_497, %add3A_500, %xor3A_494 : vector<16xi1>, vector<16xi32>
    %broadcast_in_dim3A_502 = vector.shape_cast %select_n3A_501 : vector<16xi32> to vector<16x1xi32>
    %gather3A_503 = vector.shape_cast %broadcast_in_dim3A_502 : vector<16x1xi32> to vector<16xi32>
    %gather3A_504 = tpu.dynamic_gather %max3A_491[%gather3A_503] in [0] : vector<16xf32>, vector<16xi32> -> vector<16xf32>
    %max3A_505 = arith.maximumf %max3A_491, %gather3A_504 : vector<16xf32>
    %eq3A_506 = arith.cmpf oeq, %parallel_loop3A_333#2, %max3A_505 : vector<16xf32>
    %jit3A_507 = arith.constant 2048 : i32
    %broadcast_in_dim3A_508 = vector.broadcast %jit3A_507 : i32 to vector<16xi32>
    %select_n3A_509 = arith.select %eq3A_506, %parallel_loop3A_333#3, %broadcast_in_dim3A_508 : vector<16xi1>, vector<16xi32>
    %xor3A_510 = arith.constant 8 : i32
    %xor3A_511 = vector.broadcast %xor3A_510 : i32 to vector<16xi32>
    %xor3A_512 = arith.xori %iota3A, %xor3A_511 : vector<16xi32>
    %lt3A_513 = arith.constant 0 : i32
    %lt3A_514 = vector.broadcast %lt3A_513 : i32 to vector<16xi32>
    %lt3A_515 = arith.cmpi slt, %xor3A_512, %lt3A_514 : vector<16xi32>
    %add3A_516 = arith.constant 16 : i32
    %add3A_517 = vector.broadcast %add3A_516 : i32 to vector<16xi32>
    %add3A_518 = arith.addi %xor3A_512, %add3A_517 : vector<16xi32>
    %select_n3A_519 = arith.select %lt3A_515, %add3A_518, %xor3A_512 : vector<16xi1>, vector<16xi32>
    %broadcast_in_dim3A_520 = vector.shape_cast %select_n3A_519 : vector<16xi32> to vector<16x1xi32>
    %gather3A_521 = vector.shape_cast %broadcast_in_dim3A_520 : vector<16x1xi32> to vector<16xi32>
    %gather3A_522 = tpu.dynamic_gather %select_n3A_509[%gather3A_521] in [0] : vector<16xi32>, vector<16xi32> -> vector<16xi32>
    %min3A_523 = arith.minsi %select_n3A_509, %gather3A_522 : vector<16xi32>
    %xor3A_524 = arith.constant 4 : i32
    %xor3A_525 = vector.broadcast %xor3A_524 : i32 to vector<16xi32>
    %xor3A_526 = arith.xori %iota3A, %xor3A_525 : vector<16xi32>
    %lt3A_527 = arith.constant 0 : i32
    %lt3A_528 = vector.broadcast %lt3A_527 : i32 to vector<16xi32>
    %lt3A_529 = arith.cmpi slt, %xor3A_526, %lt3A_528 : vector<16xi32>
    %add3A_530 = arith.constant 16 : i32
    %add3A_531 = vector.broadcast %add3A_530 : i32 to vector<16xi32>
    %add3A_532 = arith.addi %xor3A_526, %add3A_531 : vector<16xi32>
    %select_n3A_533 = arith.select %lt3A_529, %add3A_532, %xor3A_526 : vector<16xi1>, vector<16xi32>
    %broadcast_in_dim3A_534 = vector.shape_cast %select_n3A_533 : vector<16xi32> to vector<16x1xi32>
    %gather3A_535 = vector.shape_cast %broadcast_in_dim3A_534 : vector<16x1xi32> to vector<16xi32>
    %gather3A_536 = tpu.dynamic_gather %min3A_523[%gather3A_535] in [0] : vector<16xi32>, vector<16xi32> -> vector<16xi32>
    %min3A_537 = arith.minsi %min3A_523, %gather3A_536 : vector<16xi32>
    %xor3A_538 = arith.constant 2 : i32
    %xor3A_539 = vector.broadcast %xor3A_538 : i32 to vector<16xi32>
    %xor3A_540 = arith.xori %iota3A, %xor3A_539 : vector<16xi32>
    %lt3A_541 = arith.constant 0 : i32
    %lt3A_542 = vector.broadcast %lt3A_541 : i32 to vector<16xi32>
    %lt3A_543 = arith.cmpi slt, %xor3A_540, %lt3A_542 : vector<16xi32>
    %add3A_544 = arith.constant 16 : i32
    %add3A_545 = vector.broadcast %add3A_544 : i32 to vector<16xi32>
    %add3A_546 = arith.addi %xor3A_540, %add3A_545 : vector<16xi32>
    %select_n3A_547 = arith.select %lt3A_543, %add3A_546, %xor3A_540 : vector<16xi1>, vector<16xi32>
    %broadcast_in_dim3A_548 = vector.shape_cast %select_n3A_547 : vector<16xi32> to vector<16x1xi32>
    %gather3A_549 = vector.shape_cast %broadcast_in_dim3A_548 : vector<16x1xi32> to vector<16xi32>
    %gather3A_550 = tpu.dynamic_gather %min3A_537[%gather3A_549] in [0] : vector<16xi32>, vector<16xi32> -> vector<16xi32>
    %min3A_551 = arith.minsi %min3A_537, %gather3A_550 : vector<16xi32>
    %xor3A_552 = arith.constant 1 : i32
    %xor3A_553 = vector.broadcast %xor3A_552 : i32 to vector<16xi32>
    %xor3A_554 = arith.xori %iota3A, %xor3A_553 : vector<16xi32>
    %lt3A_555 = arith.constant 0 : i32
    %lt3A_556 = vector.broadcast %lt3A_555 : i32 to vector<16xi32>
    %lt3A_557 = arith.cmpi slt, %xor3A_554, %lt3A_556 : vector<16xi32>
    %add3A_558 = arith.constant 16 : i32
    %add3A_559 = vector.broadcast %add3A_558 : i32 to vector<16xi32>
    %add3A_560 = arith.addi %xor3A_554, %add3A_559 : vector<16xi32>
    %select_n3A_561 = arith.select %lt3A_557, %add3A_560, %xor3A_554 : vector<16xi1>, vector<16xi32>
    %broadcast_in_dim3A_562 = vector.shape_cast %select_n3A_561 : vector<16xi32> to vector<16x1xi32>
    %gather3A_563 = vector.shape_cast %broadcast_in_dim3A_562 : vector<16x1xi32> to vector<16xi32>
    %gather3A_564 = tpu.dynamic_gather %min3A_551[%gather3A_563] in [0] : vector<16xi32>, vector<16xi32> -> vector<16xi32>
    %min3A_565 = arith.minsi %min3A_551, %gather3A_564 : vector<16xi32>
    %gather3A_566 = tpu.vector_load_idx %arg10[%broadcast_in_dim3A_314, %broadcast_in_dim3A_7] : memref<2x2048xf32, #tpu.memory_space<vmem>>[vector<16xi32>, vector<16xi32>], vector<16xf32>,
    %gather3A_567 = tpu.vector_load_idx %arg11[%broadcast_in_dim3A_314, %broadcast_in_dim3A_7] : memref<2x2048xf32, #tpu.memory_space<vmem>>[vector<16xi32>, vector<16xi32>], vector<16xf32>,
    %add3A_568 = arith.addf %gather3A_566, %gather3A_567 : vector<16xf32>
    %gt3A_569 = arith.cmpf ogt, %add3A_568, %max3A_505 : vector<16xf32>
    %jit3A_570 = arith.constant 0 : i32
    %broadcast_in_dim3A_571 = vector.broadcast %jit3A_570 : i32 to vector<16xi32>
    %select_n3A_572 = arith.select %gt3A_569, %broadcast_in_dim3A_571, %min3A_449 : vector<16xi1>, vector<16xi32>
    %jit3A_573 = arith.constant 0 : i32
    %broadcast_in_dim3A_574 = vector.broadcast %jit3A_573 : i32 to vector<16xi32>
    %select_n3A_575 = arith.select %gt3A_569, %broadcast_in_dim3A_574, %min3A_565 : vector<16xi1>, vector<16xi32>
    %gather3A_576 = tpu.vector_load_idx %arg10[%broadcast_in_dim3A_314, %select_n3A_572] : memref<2x2048xf32, #tpu.memory_space<vmem>>[vector<16xi32>, vector<16xi32>], vector<16xf32>,
    %gather3A_577 = tpu.vector_load_idx %arg11[%broadcast_in_dim3A_314, %select_n3A_575] : memref<2x2048xf32, #tpu.memory_space<vmem>>[vector<16xi32>, vector<16xi32>], vector<16xf32>,
    %mul3A_578 = arith.mulf %gather3A_576, %gather3A_577 : vector<16xf32>
    %mul3A_579 = arith.mulf %gather3A_566, %gather3A_567 : vector<16xf32>
    %broadcast_in_dim3A_580 = vector.broadcast %add3A_312 : i32 to vector<16xi32>
    %gather3A_581 = tpu.vector_load_idx %arg15[%broadcast_in_dim3A_580] : memref<64xf32, #tpu.memory_space<vmem>>[vector<16xi32>], vector<16xf32>,
    %mul3A_582 = arith.mulf %gather3A, %gather3A_581 : vector<16xf32>
    %sub3A_583 = arith.constant 1.000000e+00 : f32
    %sub3A_584 = vector.broadcast %sub3A_583 : f32 to vector<16xf32>
    %sub3A_585 = arith.subf %sub3A_584, %gather3A : vector<16xf32>
    %gather3A_586 = tpu.vector_load_idx %arg14[%broadcast_in_dim3A_580] : memref<64xf32, #tpu.memory_space<vmem>>[vector<16xi32>], vector<16xf32>,
    %mul3A_587 = arith.mulf %sub3A_585, %gather3A_586 : vector<16xf32>
    %add3A_588 = arith.addf %mul3A_582, %mul3A_587 : vector<16xf32>
    %sub3A_589 = arith.subf %mul3A_579, %mul3A_578 : vector<16xf32>
    %add3A_590 = arith.addf %add3A_588, %sub3A_589 : vector<16xf32>
    %gt3A_591 = arith.cmpf ogt, %add3A_590, %gather3A_22 : vector<16xf32>
    %reduce_or3A_592 = arith.constant 1.000000e+00 : f32
    %reduce_or3A_593 = arith.constant 0.000000e+00 : f32
    %reduce_or3A_594 = vector.broadcast %reduce_or3A_592 : f32 to vector<16xf32>
    %reduce_or3A_595 = vector.broadcast %reduce_or3A_593 : f32 to vector<16xf32>
    %reduce_or3A_596 = arith.select %gt3A_591, %reduce_or3A_594, %reduce_or3A_595 : vector<16xi1>, vector<16xf32>
    %reduce_or3A_597 = arith.constant true
    %reduce_or3A_598 = vector.broadcast %reduce_or3A_597 : i1 to vector<16xi1>
    %reduce_or3A_599 = tpu.scan <max>, %reduce_or3A_596 masked %reduce_or3A_598 : vector<16xf32>, vector<16xi1> -> vector<16xf32>
    %reduce_or3A_600 = vector.extract %reduce_or3A_599[15] : f32 from vector<16xf32>
    %reduce_or3A_601 = arith.constant 0.000000e+00 : f32
    %reduce_or3A_602 = arith.cmpf ogt, %reduce_or3A_600, %reduce_or3A_601 : f32
    %convert_element_type3A_603 = arith.extui %reduce_or3A_602 : i1 to i32
    %cond3A_604 = arith.constant 0 : i32
    %cond3A_605 = arith.cmpi ne, %convert_element_type3A_603, %cond3A_604 : i32
    scf.if %cond3A_605 {
      %parallel_loop3A_622 = arith.constant 0 : i32
      %parallel_loop3A_623 = arith.constant 128 : i32
      %parallel_loop3A_624 = arith.constant 1 : i32
      scf.for %parallel_loop3A_625 = %parallel_loop3A_622 to %parallel_loop3A_623 step %parallel_loop3A_624  : i32 {
        %parallel_loop3A_626 = arith.constant 16 : i32
        %parallel_loop3A_627 = arith.muli %parallel_loop3A_625, %parallel_loop3A_626 : i32
        %parallel_loop3A_628 = arith.constant 1 : i32
        %parallel_loop3A_629 = arith.index_cast %parallel_loop3A_628 : i32 to index
        %parallel_loop3A_630 = arith.index_cast %parallel_loop3A_627 : i32 to index
        %parallel_loop3A_631 = tpu.vector_load %arg10[%parallel_loop3A_629, %parallel_loop3A_630] {strides = array<i32>} : memref<2x2048xf32, #tpu.memory_space<vmem>>, vector<16xf32>,
        tpu.vector_store %arg10[%parallel_loop3A_629, %parallel_loop3A_630], %broadcast_in_dim3A_3 {strides = array<i32>} : memref<2x2048xf32, #tpu.memory_space<vmem>>, vector<16xf32>,
        %parallel_loop3A_632 = arith.constant 1 : i32
        %parallel_loop3A_633 = arith.index_cast %parallel_loop3A_632 : i32 to index
        %parallel_loop3A_634 = arith.index_cast %parallel_loop3A_627 : i32 to index
        %parallel_loop3A_635 = tpu.vector_load %arg11[%parallel_loop3A_633, %parallel_loop3A_634] {strides = array<i32>} : memref<2x2048xf32, #tpu.memory_space<vmem>>, vector<16xf32>,
        tpu.vector_store %arg11[%parallel_loop3A_633, %parallel_loop3A_634], %broadcast_in_dim3A_3 {strides = array<i32>} : memref<2x2048xf32, #tpu.memory_space<vmem>>, vector<16xf32>,
      } {sc.loop_unroll_factor = 8 : i64, sc.parallel_access}
    } else {
    }
    %dma_start3A_606 = arith.constant 0 : i32
    %dma_start3A_607 = tpu.memref_slice %arg8[%mul3A_2, %dma_start3A_606] : memref<64x2048xf32, #tpu.memory_space<hbm>> -> memref<2x2048xf32, #tpu.memory_space<hbm>>
    %dma_start3A_608 = arith.constant 0 : i32
    %dma_start3A_609 = tpu.memref_slice %arg8[%mul3A_2, %dma_start3A_608] : memref<64x2048xf32, #tpu.memory_space<hbm>> -> memref<2x2048xf32, #tpu.memory_space<hbm>>
    tpu.enqueue_dma source(%arg10 : memref<2x2048xf32, #tpu.memory_space<vmem>>) target(%dma_start3A_609 : memref<2x2048xf32, #tpu.memory_space<hbm>>) target_semaphore(%arg20 : memref<!tpu.dma_semaphore, #tpu.memory_space<semaphore_mem>>)
    %dma_start3A_610 = arith.constant 0 : i32
    %dma_start3A_611 = tpu.memref_slice %arg9[%mul3A_2, %dma_start3A_610] : memref<64x2048xf32, #tpu.memory_space<hbm>> -> memref<2x2048xf32, #tpu.memory_space<hbm>>
    %dma_start3A_612 = arith.constant 0 : i32
    %dma_start3A_613 = tpu.memref_slice %arg9[%mul3A_2, %dma_start3A_612] : memref<64x2048xf32, #tpu.memory_space<hbm>> -> memref<2x2048xf32, #tpu.memory_space<hbm>>
    tpu.enqueue_dma source(%arg11 : memref<2x2048xf32, #tpu.memory_space<vmem>>) target(%dma_start3A_613 : memref<2x2048xf32, #tpu.memory_space<hbm>>) target_semaphore(%arg21 : memref<!tpu.dma_semaphore, #tpu.memory_space<semaphore_mem>>)
    %dma_wait3A_614 = arith.constant 0 : i32
    %dma_wait3A_615 = tpu.memref_slice %arg8[%mul3A_2, %dma_wait3A_614] : memref<64x2048xf32, #tpu.memory_space<hbm>> -> memref<2x2048xf32, #tpu.memory_space<hbm>>
    %dma_wait3A_616 = arith.constant 0 : i32
    %dma_wait3A_617 = tpu.memref_slice %arg8[%mul3A_2, %dma_wait3A_616] : memref<64x2048xf32, #tpu.memory_space<hbm>> -> memref<2x2048xf32, #tpu.memory_space<hbm>>
    tpu.wait_dma2 semaphore(%arg20 : memref<!tpu.dma_semaphore, #tpu.memory_space<semaphore_mem>>) src(%arg10 : memref<2x2048xf32, #tpu.memory_space<vmem>>) dst(%dma_wait3A_617 : memref<2x2048xf32, #tpu.memory_space<hbm>>)
    %dma_wait3A_618 = arith.constant 0 : i32
    %dma_wait3A_619 = tpu.memref_slice %arg9[%mul3A_2, %dma_wait3A_618] : memref<64x2048xf32, #tpu.memory_space<hbm>> -> memref<2x2048xf32, #tpu.memory_space<hbm>>
    %dma_wait3A_620 = arith.constant 0 : i32
    %dma_wait3A_621 = tpu.memref_slice %arg9[%mul3A_2, %dma_wait3A_620] : memref<64x2048xf32, #tpu.memory_space<hbm>> -> memref<2x2048xf32, #tpu.memory_space<hbm>>
    tpu.wait_dma2 semaphore(%arg21 : memref<!tpu.dma_semaphore, #tpu.memory_space<semaphore_mem>>) src(%arg11 : memref<2x2048xf32, #tpu.memory_space<vmem>>) dst(%dma_wait3A_621 : memref<2x2048xf32, #tpu.memory_space<hbm>>)
    return
  }
}

</mosaic_0001>

<sc_bundles>
// kernel: _run.3.cloned.1.call-start
scs
__scs_entry_jumppad:
0x0: {  	(pc) =	sbr.rel $0x88, $3  }
0x1: {  	(tag) =	ssettag $0x0;
	lr =	simm.s32 $0x1  }
0x2: {  	[smem:$0x3F9B] =	sst lr;
	_ =	strace $0xD0000000  }
0x3: {  	_ = 	snop  }
0x4: {  	_ = 	snop  }
0x5: {  	_ = 	snop  }
0x6: {  	_ = 	snop  }
0x7: {  	_ = 	snop  }
__scs_overlays_trampoline_lowered:
0x8: {  	[smem:$0x3FAA] =	sst s0  }
0x9: {  	[smem:$0x3FAB] =	sst s1  }
0xa: {  	[smem:$0x3FAC] =	sst s2  }
0xb: {  	[smem:$0x3FAD] =	sst s3  }
0xc: {  	[smem:$0x3FAE] =	sst s4  }
0xd: {  	[smem:$0x3FAF] =	sst s5  }
0xe: {  	[smem:$0x3FB0] =	sst s6  }
0xf: {  	[smem:$0x3FB1] =	sst s7  }
0x10: {  	[smem:$0x3FB2] =	sst s8  }
0x11: {  	[smem:$0x3FB3] =	sst s9;
	s0 =	simm.s32 @!p0 $0x0  }
0x12: {  	s1 =	sld [smem:$0x3F99];
	s0 =	simm.s32 @p0 $0x1  }
0x13: {  	[smem:$0x3FB4] =	sst s0;
	s0 =	simm.s32 @!p1 $0x0  }
0x14: {  	s2 =	sld [smem:$0x3F98];
	s0 =	simm.s32 @p1 $0x1  }
0x15: {  	[smem:$0x3FB5] =	sst s0;
	s0 =	simm.s32 @!p2 $0x0  }
0x16: {  	s3 =	sld [smem:$0x3FDB];
	s0 =	simm.s32 @p2 $0x1  }
0x17: {  	s4 =	simm.s32 $0x1BF5;
	[smem:$0x3FB7] =	sst s0  }
0x18: {  	s0 =	sld [smem:$0x3F9A];
	_ =	swait.ge [sflag:s4], $0x0  }
0x19: {  	s7 =	sld [smem:$0x3F9B]  }
0x1a: {  	s8 =	sadd.s32 $0xFFFFE003, lr  }
0x1b: {  	s9 =	sadd.s32 $0xFFFFFEF7, lr;
	s5 =	simm.s32 $0xFFFFFFFF;
	p2 =	slt.u32 s8, $0xFFFFF086  }
0x1c: {  	p1 =	slt.u32 s9, $0xF7A;
	s5 =	simm.s32 @!p2 $0x0  }
0x1d: {  	s5 =	simm.s32 @p1 $0x1;
	p0 =	seq.s32 s7, s2  }
0x1e: {  	s7 =	smul.u32 @!p0 $0xF7A, s2;
	p2 =	seq.s32 @!p0 s5, $0x0  }
0x1f: {  	s9 =	smul.u32 $0xF7A, s1;
	s8 =	simm.s32 @!p0 $0x1BF5;
	p2 =	por !p2, p0  }
0x20: {  	[sflag:s8] =	ssyncset.s32 @!p0 $0xFFFFF086;
	s6 =	sadd.s32 @!p0 s3, s7;
	s7 =	simm.s32 @!p0 $0x108  }
0x21: {  	s3 =	sadd.s32 s3, s9;
	s6 =	sadd.s32 @!p0 $0x88, s6;
	s7 =	simm.s32 @p2 $0x1082  }
0x22: {  	[simem:s7], [sflag:s8] =	dma.local @!p0 [hbm:s6], $0xF7A  }
0x23: {  	s9 =	sor.u32 $0xD0000000, s2;
	s6 =	simm.s32 $0x108;
	_ =	swait.ge @!p0 [sflag:s8], $0x0  }
0x24: {  	s3 =	sadd.s32 $0x88, s3;
	s6 =	simm.s32 @!p1 $0x1082;
	[sflag:s4] =	ssyncset.s32 $0xFFFFF086  }
0x25: {  	[simem:s6], [sflag:s4] =	dma.local [hbm:s3], $0xF7A  }
0x26: {  	[smem:$0x3F9B] =	sst s1;
	(tag) =	ssettag s2;
	_ =	strace s9  }
0x27: {  	s1 =	sld [smem:$0x3FAB]  }
0x28: {  	s2 =	sld [smem:$0x3FAC]  }
0x29: {  	s4 =	sld [smem:$0x3FAE]  }
0x2a: {  	p0 =	seq.s32 s5, $0x0;
	s5 =	sld [smem:$0x3FAF]  }
0x2b: {  	s6 =	sld [smem:$0x3FB0]  }
0x2c: {  	s7 =	sld [smem:$0x3FB1]  }
0x2d: {  	s3 =	simm.s32 $0x108;
	s8 =	sld [smem:$0x3FB2]  }
0x2e: {  	s3 =	simm.s32 @!p0 $0x1082;
	s9 =	sld [smem:$0x3FB3]  }
0x2f: {  	lr =	sadd.s32 s0, s3;
	s0 =	sld [smem:$0x3FAA]  }
0x30: {  	s3 =	sld [smem:$0x3FAD]  }
0x31: {  	[smem:$0x3FB6] =	sst s10  }
0x32: {  	s10 =	sld [smem:$0x3FB4];
	_ =	sdelay $0x3  }
0x33: {  	p0 =	seq.s32 s10, $0x1;
	s10 =	sld [smem:$0x3FB6];
	_ =	sdelay $0x3  }
0x34: {  	[smem:$0x3FB6] =	sst s10  }
0x35: {  	s10 =	sld [smem:$0x3FB5];
	_ =	sdelay $0x3  }
0x36: {  	p1 =	seq.s32 s10, $0x1;
	s10 =	sld [smem:$0x3FB6];
	_ =	sdelay $0x3  }
0x37: {  	[smem:$0x3FB6] =	sst s10  }
0x38: {  	s10 =	sld [smem:$0x3FB7]  }
0x39: {  	_ = 	snop;
	(pc) =	sbr.ind lr, $3  }
0x3a: {  	_ = 	snop  }
0x3b: {  	_ = 	snop  }
0x3c: {  	p2 =	seq.s32 s10, $0x1;
	s10 =	sld [smem:$0x3FB6]  }
0x3d: {  	_ =	shalt  }
0x3e: {  	_ =	shalt  }
0x3f: {  	_ =	shalt  }
0x40: {  	_ =	shalt  }
0x41: {  	_ =	shalt  }
0x42: {  	_ =	shalt  }
0x43: {  	_ =	shalt  }
0x44: {  	_ =	shalt  }
0x45: {  	_ =	shalt  }
0x46: {  	_ =	shalt  }
0x47: {  	_ =	shalt  }
0x48: {  	_ =	shalt  }
0x49: {  	_ =	shalt  }
0x4a: {  	_ =	shalt  }
0x4b: {  	_ =	shalt  }
0x4c: {  	_ =	shalt  }
0x4d: {  	_ =	shalt  }
0x4e: {  	_ =	shalt  }
0x4f: {  	_ =	shalt  }
0x50: {  	_ =	shalt  }
0x51: {  	_ =	shalt  }
0x52: {  	_ =	shalt  }
0x53: {  	_ =	shalt  }
0x54: {  	_ =	shalt  }
0x55: {  	_ =	shalt  }
0x56: {  	_ =	shalt  }
0x57: {  	_ =	shalt  }
0x58: {  	_ =	shalt  }
0x59: {  	_ =	shalt  }
0x5a: {  	_ =	shalt  }
0x5b: {  	_ =	shalt  }
0x5c: {  	_ =	shalt  }
0x5d: {  	_ =	shalt  }
0x5e: {  	_ =	shalt  }
0x5f: {  	_ =	shalt  }
0x60: {  	_ =	shalt  }
0x61: {  	_ =	shalt  }
0x62: {  	_ =	shalt  }
0x63: {  	_ =	shalt  }
0x64: {  	_ =	shalt  }
0x65: {  	_ =	shalt  }
0x66: {  	_ =	shalt  }
0x67: {  	_ =	shalt  }
0x68: {  	_ =	shalt  }
0x69: {  	_ =	shalt  }
0x6a: {  	_ =	shalt  }
0x6b: {  	_ =	shalt  }
0x6c: {  	_ =	shalt  }
0x6d: {  	_ =	shalt  }
0x6e: {  	_ =	shalt  }
0x6f: {  	_ =	shalt  }
0x70: {  	_ =	shalt  }
0x71: {  	_ =	shalt  }
0x72: {  	_ =	shalt  }
0x73: {  	_ =	shalt  }
0x74: {  	_ =	shalt  }
0x75: {  	_ =	shalt  }
0x76: {  	_ =	shalt  }
0x77: {  	_ =	shalt  }
0x78: {  	_ =	shalt  }
0x79: {  	_ =	shalt  }
0x7a: {  	_ =	shalt  }
0x7b: {  	_ =	shalt  }
0x7c: {  	_ =	shalt  }
0x7d: {  	_ =	shalt  }
0x7e: {  	_ =	shalt  }
0x7f: {  	_ =	shalt  }
0x80: {  	_ =	shalt  }
0x81: {  	_ =	shalt  }
0x82: {  	_ =	shalt  }
0x83: {  	_ =	shalt  }
0x84: {  	_ =	shalt  }
0x85: {  	_ =	shalt  }
0x86: {  	_ =	shalt  }
0x87: {  	_ =	shalt  }
.Lfunc_end0:
.L_simem_size_0:
called_computation_lowered:
.L_overlay_start_0:
0x88: {  	s2 =	sld [smem:$0x3FD9]  }
0x89: {  	s3 =	sld [smem:$0x3FFE];
	_ =	sdelay $0x1  }
0x8a: {  	s1 =	srdreg.scid  }
0x8b: {  	s0 =	sand.u32 $0x1, s1  }
0x8c: {  	s15 =	sshll.u32 s0, $0xA;
	s2 =	sadd.s32 s3, s2  }
0x8d: {  	s2 =	sadd.s32 s2, s15  }
0x8e: {  	[smem:$0x3FC2] =	sst s2  }
0x8f: {  	_ = 	snop  }
0x90: {  	s2 =	sld [smem:$0x3FC9]  }
0x91: {  	s16 =	sld [smem:$0x3FC8]  }
0x92: {  	s4 =	sld [smem:$0x3FC7]  }
0x93: {  	s5 =	sld [smem:$0x3FD0]  }
0x94: {  	s6 =	sld [smem:$0x3FC6]  }
0x95: {  	s7 =	sld [smem:$0x3FC5]  }
0x96: {  	s9 =	simm.s32 $0xA;
	s10 =	simm.s32 $0x10;
	s8 =	sld [smem:$0x3FC4]  }
0x97: {  	[smem:s10], [sflag:s9] =	dma.local [hbm:s5], $0x1  }
0x98: {  	_ =	swait.eq [sflag:s9], $0x1  }
0x99: {  	[sflag:s9] =	ssyncset.done $0x0  }
0x9a: {  	s17 =	sld [smem:$0x10];
	[sflag:s9] =	ssyncadd.s32 $0xFFFFFFFF  }
0x9b: {  	s18 =	sld [smem:$0x11];
	(tm) =	ssettm $0x1  }
0x9c: {  	s19 =	sld [smem:$0x3FFB];
	_ =	sdelay $0x3  }
0x9d: {  	_ =	strace s19  }
0x9e: {  	s10 =	sld [smem:$0x3FFC];
	_ =	sdelay $0x3  }
0x9f: {  	_ =	strace s10  }
0xa0: {  	s10 =	sld [smem:$0x3FFD];
	_ =	sdelay $0x3  }
0xa1: {  	_ =	strace s10  }
0xa2: {  	_ =	strace $0x8FFFFFFF  }
0xa3: {  	s20 =	sld [smem:$0x3FDB];
	_ =	sdelay $0x1  }
0xa4: {  	s11 =	simm.s32 $_scs_section_size  }
0xa5: {  	s12 =	simm.s32 $_size__tile_overlayer_lowered;
	s13 =	simm.s32 $_tile_overlayer_lowered  }
0xa6: {  	s23 =	simm.s32 $0x1BFF;
	s22 =	sshll.u32 s13, $0x1;
	s10 =	sadd.s32 s11, s20  }
0xa7: {  	s14 =	simm.s32 $0x0;
	s21 =	sshll.u32 s12, $0x1;
	s12 =	sadd.s32 s22, s10  }
0xa8: {  	[timem:s14], [sflag:s23] =	dma.local [hbm:s12], s21  }
0xa9: {  	_ =	swait.ge [sflag:s23], s21  }
0xaa: {  	s11 =	ssub.s32 $0x0, s21;
	[sflag:s23] =	ssyncset.done $0x0  }
0xab: {  	[sflag:s23] =	ssyncadd.s32 s11;
	_ =	sdelay $0x1  }
0xac: {  	s24 =	simm.s32 $0x1B8B  }
0xad: {  	_ =	swait.ge [sflag:s24], $0x1  }
0xae: {  	[sflag:s24] =	ssyncset.done $0x0  }
0xaf: {  	s25 =	simm.s32 $0x1B8E;
	[sflag:s24] =	ssyncadd.s32 $0xFFFFFFFF  }
0xb0: {  	s26 =	simm.s32 $execute0_lowered;
	[smem:$0x3FD2] =	sst s25  }
0xb1: {  	s11 =	sshll.u32 s26, $0x1;
	_ =	strace $0x80000046;
	[dreg:$0x1] =	wrdreg $0xFFFFFFFF  }
0xb2: {  	s28 =	simm.s32 $_size_execute0_lowered;
	s10 =	sadd.s32 s10, s11;
	[dreg:$0x0] =	wrdreg $0x0  }
0xb3: {  	s11 =	sshll.u32 s28, $0x1;
	[dreg:$0x2] =	wrdreg s10  }
0xb4: {  	[dreg:$0x3] =	wrdreg s11  }
0xb5: {  	[dreg:$0x4] =	wrdreg $0xC0  }
0xb6: {  	_ =	task [dreg:s14], $0x5FFFF  }
0xb7: {  	[dreg:$0x1] =	wrdreg $0xFFFFFFFF  }
0xb8: {  	[dreg:$0x0] =	wrdreg $0x60  }
0xb9: {  	[dreg:$0x2] =	wrdreg s2  }
0xba: {  	[dreg:$0x3] =	wrdreg s16  }
0xbb: {  	[dreg:$0x4] =	wrdreg s4  }
0xbc: {  	[dreg:$0x5] =	wrdreg s6  }
0xbd: {  	[dreg:$0x6] =	wrdreg s7  }
0xbe: {  	[dreg:$0x7] =	wrdreg s8  }
0xbf: {  	[dreg:$0x8] =	wrdreg s17  }
0xc0: {  	[dreg:$0x9] =	wrdreg s18  }
0xc1: {  	[dreg:$0xa] =	wrdreg $0x9  }
0xc2: {  	_ =	task.clear_ibuf [dreg:s14], $0xBFFFF;
	_ =	strace $0x90000046  }
0xc3: {  	s29 =	simm.s32 $0x9;
	_ =	strace $0x80000048  }
0xc4: {  	_ =	swait.ge [sflag:s29], $0x1  }
0xc5: {  	[sflag:s29] =	ssyncadd.s32 $0xFFFFFFFF  }
0xc6: {  	_ =	strace $0x90000048  }
0xc7: {  	_ =	sfence  }
0xc8: {  	s30 =	sld [smem:$0x0];
	_ =	sdelay $0x2  }
0xc9: {  	s31 =	sshll.u32 s1, $0xD;
	s1 =	sshrl.u32 s1, $0x2  }
0xca: {  	s3 =	sand.u32 $0x4000, s31;
	s1 =	sadd.s32 s1, s30  }
0xcb: {  	s0 =	sor.u32 s3, s0;
	s1 =	sshll.u32 s1, $0x11  }
0xcc: {  	s0 =	sor.u32 s1, s0  }
0xcd: {  	s0 =	sadd.s32 $0x8F2B, s0  }
0xce: {  	[sflag:s0] =	ssyncadd.remote.s32 $0x1  }
0xcf: {  	_ =	sfence.sel $0xFFFF  }
0xd0: {  	[dreg:$0x0] =	wrdreg $0xFFFFFFFF;
	(pc) =	sbr.abs _section_cstart, $3  }
0xd1: {  	[dreg:$0x1] =	wrdreg $0xFFFFFFFF  }
0xd2: {  	_ =	task.clear_ibuf [dreg:s14], $0x2FFFF;
	_ =	strace $0x9FFFFFFF  }
0xd3: {  	(tm) =	ssettm $0x7FFFFFFF  }
tec
execute0_lowered:
.L_overlay_start_1:
0x0: {  	(tag) =	ssettag $0x1  }
0x1: {  	s1 =	rddreg [dreg:$0x0]  }
0x2: {  	s2 =	rddreg [dreg:$0x1]  }
0x3: {  	s8 =	rddreg [dreg:$0x2];
	v1 =	vimm.s32 $0xBA98FEDC  }
0x4: {  	s9 =	rddreg [dreg:$0x3];
	v2 =	vimm.s32 $0x76543210;
	v3 =	vimm.s32 $0xFEDCBA98;
	v6 =	vimm.s32 $0xDCFE98BA  }
0x5: {  	s3 =	srdreg.scid;
	s11 =	rddreg [dreg:$0x6];
	v7 =	vimm.s32 $0x54761032;
	v8 =	vimm.s32 $0xEFCDAB89;
	v4 =	vunpack.c.l.s4.s8 v1  }
0x6: {  	s0 =	stileid.u32;
	s12 =	rddreg [dreg:$0x7];
	s7 =	sand.u32 $0x1, s3;
	v5 =	vunpack.c.l.s4.s8 v2;
	v2 =	vunpack.c.l.s4.s8 v3;
	v6 =	vunpack.c.l.s4.s8 v6  }
0x7: {  	s6 =	simm.s32 $0x0;
	s30 =	sshll.u32 s0, $0x2;
	v7 =	vunpack.c.l.s4.s8 v7;
	s4 =	sshll.u32 s7, $0x1;
	v3 =	vunpack.c.0.s8.s32 v4;
	v4 =	vimm.s32 $0x32107654  }
0x8: {  	v9 =	vimm.s32 $0x67452301;
	s15 =	simm.s32 $0x3100;
	s16 =	simm.s32 $0x5;
	v8 =	vunpack.c.l.s4.s8 v8;
	s10 =	sor.u32 s4, s30;
	v4 =	vunpack.c.l.s4.s8 v4  }
0x9: {  	s17 =	simm.s32 $0x3180;
	s18 =	simm.s32 $0x3200;
	s19 =	simm.s32 $0x3280;
	v6 =	vunpack.c.0.s8.s32 v6;
	v7 =	vunpack.c.0.s8.s32 v7;
	v0 =	vmov s10  }
0xa: {  	s20 =	simm.s32 $0x1;
	s21 =	simm.s32 $0x2;
	s22 =	simm.s32 $0x3;
	v10 =	vunpack.c.0.s8.s32 v2;
	v0 =	vbroadcast v0, $0x0;
	v4 =	vunpack.c.0.s8.s32 v4  }
0xb: {  	s23 =	simm.s32 $0x4;
	s3 =	rddreg [dreg:$0x4];
	v9 =	vunpack.c.l.s4.s8 v9;
	v5 =	vunpack.c.0.s8.s32 v5;
	s5 =	sor.u32 $0x1, s10;
	v6 =	vcombine.low v7, v6  }
0xc: {  	s24 =	simm.s32 $0x0;
	[smem:$0x7FF] =	sst s6;
	s7 =	ssub.s32 $0x2, s7;
	v7 =	vand.u32 $0xF, v10;
	[tilespmem:$0x1FFA0] =	vst v0;
	v0 =	vmov s5;
	v11 =	vcombine.low v4, v3  }
0xd: {  	s13 =	sshll.u32 s0, $0xA;
	s4 =	rddreg [dreg:$0x5];
	s14 =	sshrl.u32 s7, $0x1;
	[tilespmem:$0x1FFB0] =	vst v0;
	v4 =	vunpack.c.0.s8.s32 v8;
	v8 =	vunpack.c.0.s8.s32 v9;
	v0 =	vcombine.low v7, v5  }
.Ltmp0:
0xe: {  	s10 =	sshll.u32 s10, $0x4;
	s31 =	ssub.s32 s7, s14;
	(pc) =	sbr.rel .LBB2_1-.Ltmp0, $4  }
0xf: {  	s10 =	sor.u32 s13, s10;
	s5 =	rddreg [dreg:$0x8];
	_ =	strace $0x80000047;
	v8 =	vcombine.low v8, v4;
	[tilespmem:$0x1FFC0] =	vst v0;
	v0 =	vand.u32 $0xF, v11  }
0x10: {  	s14 =	simm.s32 $0x1000;
	s13 =	simm.s32 $0x400;
	s10 =	sand.u32 $0x3860, s10;
	[tilespmem:$0x1FFD0] =	vst v0;
	v0 =	vand.u32 $0xF, v6  }
0x11: {  	s7 =	sadd.s32 s8, s10;
	s8 =	sadd.s32 s9, s10;
	s9 =	sadd.s32 s11, s10;
	[tilespmem:$0x1FFE0] =	vst v0;
	v0 =	vand.u32 $0xF, v8  }
0x12: {  	s10 =	sadd.s32 s12, s10;
	s11 =	smax.u32 s31, $0x1;
	s12 =	simm.s32 $0x100;
	v3 =	vlaneseq.u32;
	v8 =	vimm.f32 $0.0e+00;
	[tilespmem:$0x1FFF0] =	vst v0  }
.LBB2_16:
0x13: {  	[hbm4b:s9+s12] =	stream.strided.scatter [tilespmem:s6], [sflag:$0x3], $0x1000, s13, s12, $0x38;
	[tilespmem:$0x3300] =	vst v63  }
0x14: {  	s24 =	sadd.s32 $0x1, s24  }
0x15: {  	[hbm4b:s10+s12] =	stream.strided.scatter [tilespmem:s14], [sflag:$0x4], $0x1000, s13, s12, $0x38;
	[tilespmem:$0x3300] =	vst v63  }
0x16: {  	p0 =	sne.s32 s24, s11;
	_ =	swait.ge [sflag:s22], $0x1000  }
.Ltmp1:
0x17: {  	[sflag:s22] =	ssyncset.done $0x0;
	(pc) =	sbr.rel @!p0 .LBB2_17-.Ltmp1, $4  }
0x18: {  	[sflag:s22] =	ssyncadd.s32 $0xFFFFF000  }
0x19: {  	_ =	swait.ge [sflag:s23], $0x1000  }
0x1a: {  	[sflag:s23] =	ssyncset.done $0x0  }
0x1b: {  	[sflag:s23] =	ssyncadd.s32 $0xFFFFF000  }
.LBB2_1:
0x1c: {  	[tilespmem:s6], [sflag:$0x1] =	stream.strided.gather [hbm4b:s7+s12], $0x1000, s13, s12, $0x38;
	[tilespmem:$0x3300] =	vst v63  }
0x1d: {  	_ = 	snop  }
0x1e: {  	[tilespmem:s14], [sflag:$0x2] =	stream.strided.gather [hbm4b:s8+s12], $0x1000, s13, s12, $0x38;
	[tilespmem:$0x3300] =	vst v63  }
0x1f: {  	_ = 	snop  }
0x20: {  	[tilespmem:s15], [sflag:$0x5] =	stream.linear.gather [hbm4b:s1+s6], $0x80, $0x38;
	[tilespmem:$0x3300] =	vst v63  }
0x21: {  	_ =	swait.ge [sflag:s16], $0x80  }
0x22: {  	[sflag:s16] =	ssyncset.done $0x0  }
0x23: {  	[sflag:s16] =	ssyncadd.s32 $0xFFFFFF80  }
0x24: {  	[tilespmem:s17], [sflag:$0x5] =	stream.linear.gather [hbm4b:s2+s6], $0x80, $0x38;
	[tilespmem:$0x3300] =	vst v63  }
0x25: {  	_ =	swait.ge [sflag:s16], $0x80  }
0x26: {  	[sflag:s16] =	ssyncset.done $0x0  }
0x27: {  	[sflag:s16] =	ssyncadd.s32 $0xFFFFFF80  }
0x28: {  	[tilespmem:s18], [sflag:$0x5] =	stream.linear.gather [hbm4b:s3+s6], $0x80, $0x38;
	[tilespmem:$0x3300] =	vst v63  }
0x29: {  	_ =	swait.ge [sflag:s16], $0x80  }
0x2a: {  	[sflag:s16] =	ssyncset.done $0x0  }
0x2b: {  	[sflag:s16] =	ssyncadd.s32 $0xFFFFFF80  }
0x2c: {  	[tilespmem:s19], [sflag:$0x5] =	stream.linear.gather [hbm4b:s4+s6], $0x80, $0x38;
	[tilespmem:$0x3300] =	vst v63  }
0x2d: {  	_ =	swait.ge [sflag:s16], $0x80  }
0x2e: {  	[sflag:s16] =	ssyncset.done $0x0  }
0x2f: {  	v0 =	vimm.f32 $-3.000000010e+38;
	[sflag:s16] =	ssyncadd.s32 $0xFFFFFF80  }
0x30: {  	[tilespmem:$0x2000] =	vst v0  }
0x31: {  	[tilespmem:$0x2810] =	vst v0  }
0x32: {  	[tilespmem:$0x3080] =	vst v0  }
0x33: {  	[tilespmem:$0x3090] =	vst v0  }
0x34: {  	v0 =	vld.msk [tilespmem:s18+$0x0], $0xffff;
	_ =	sdelay $0x4  }
0x35: {  	[tilespmem:$0x1FF80] =	vst v0;
	v0 =	vld.msk [tilespmem:s19+$0x0], $0xffff;
	_ =	sdelay $0x4  }
0x36: {  	[tilespmem:$0x1FF90] =	vst v0  }
0x37: {  	_ =	swait.ge [sflag:s20], $0x1000  }
0x38: {  	[sflag:s20] =	ssyncset.done $0x0  }
0x39: {  	[sflag:s20] =	ssyncadd.s32 $0xFFFFF000  }
0x3a: {  	_ =	swait.ge [sflag:s21], $0x1000  }
0x3b: {  	[sflag:s21] =	ssyncset.done $0x0  }
0x3c: {  	s28 =	simm.s32 $0x40;
	[sflag:s21] =	ssyncadd.s32 $0xFFFFF000  }
0x3d: {  	v12 =	vld [tilespmem:s28+$0x30]  }
0x3e: {  	v13 =	vld [tilespmem:s28+$0xFFFFFFD0]  }
0x3f: {  	v14 =	vld [tilespmem:s28+$0xFFFFFFE0]  }
0x40: {  	v15 =	vld [tilespmem:s28+$0xFFFFFFF0]  }
0x41: {  	s25 =	simm.s32 $0x2040;
	v16 =	vld [tilespmem:s28+$0x0]  }
0x42: {  	v17 =	vld [tilespmem:s28+$0x10];
	[tilespmem:s25+$0x40] =	vst v12  }
0x43: {  	s26 =	simm.s32 $0x1040;
	v18 =	vld [tilespmem:s28+$0xFFFFFFC0];
	[tilespmem:s25+$0xFFFFFFE0] =	vst v13  }
0x44: {  	[tilespmem:s25+$0xFFFFFFF0] =	vst v14;
	v13 =	vld [tilespmem:s26+$0x30]  }
0x45: {  	v14 =	vld [tilespmem:s28+$0x20];
	[tilespmem:s25+$0x0] =	vst v15  }
0x46: {  	[tilespmem:s25+$0x10] =	vst v16;
	v19 =	vld [tilespmem:s26+$0xFFFFFFD0]  }
0x47: {  	[tilespmem:s25+$0x20] =	vst v17;
	v16 =	vld [tilespmem:s26+$0xFFFFFFE0]  }
0x48: {  	s28 =	simm.s32 $0x28C0;
	[tilespmem:s25+$0xFFFFFFD0] =	vst v18;
	v12 =	vld [tilespmem:s26+$0xFFFFFFF0]  }
0x49: {  	[tilespmem:s28+$0x30] =	vst v13;
	v13 =	vld [tilespmem:s26+$0x0]  }
0x4a: {  	v15 =	vld [tilespmem:s26+$0x10];
	[tilespmem:s25+$0x30] =	vst v14  }
0x4b: {  	v14 =	vld [tilespmem:s26+$0xFFFFFFC0];
	[tilespmem:s28+$0xFFFFFFD0] =	vst v19  }
0x4c: {  	s29 =	simm.s32 $0x0;
	s30 =	simm.s32 $0x140;
	[tilespmem:s28+$0xFFFFFFE0] =	vst v16;
	v16 =	vld [tilespmem:s26+$0x20]  }
.LBB2_2:
0x4d: {  	v17 =	vld [tilespmem:s30+$0x30];
	s29 =	sadd.s32 $0x8, s29;
	[tilespmem:s28+$0xFFFFFFF0] =	vst v12  }
0x4e: {  	v12 =	vld [tilespmem:s30+$0xFFFFFFD0];
	p0 =	slt.u32 s29, $0x78;
	[tilespmem:s28+$0x0] =	vst v13  }
0x4f: {  	v13 =	vld [tilespmem:s30+$0xFFFFFFE0];
	[tilespmem:s28+$0x10] =	vst v15  }
0x50: {  	v15 =	vld [tilespmem:s30+$0xFFFFFFF0];
	[tilespmem:s28+$0xFFFFFFC0] =	vst v14  }
0x51: {  	s25 =	sadd.s32 $0x80, s25;
	v14 =	vld [tilespmem:s30+$0x0];
	[tilespmem:s28+$0x20] =	vst v16  }
0x52: {  	s26 =	sadd.s32 $0x100, s26;
	v16 =	vld [tilespmem:s30+$0x10];
	[tilespmem:s25+$0x40] =	vst v17  }
0x53: {  	[tilespmem:s25+$0xFFFFFFE0] =	vst v12;
	v17 =	vld [tilespmem:s26+$0x30]  }
0x54: {  	[tilespmem:s25+$0xFFFFFFF0] =	vst v13;
	v18 =	vld [tilespmem:s30+$0x20]  }
0x55: {  	v19 =	vld [tilespmem:s30+$0xFFFFFFC0];
	[tilespmem:s25+$0x0] =	vst v15  }
0x56: {  	v20 =	vld [tilespmem:s26+$0xFFFFFFD0];
	[tilespmem:s25+$0x10] =	vst v14  }
0x57: {  	s28 =	sadd.s32 $0x80, s28;
	v21 =	vld [tilespmem:s26+$0xFFFFFFE0];
	[tilespmem:s25+$0x20] =	vst v16  }
.Ltmp2:
0x58: {  	v12 =	vld [tilespmem:s26+$0xFFFFFFF0];
	[tilespmem:s28+$0x30] =	vst v17;
	(pc) =	sbr.rel @p0 .LBB2_2-.Ltmp2, $4  }
0x59: {  	v13 =	vld [tilespmem:s26+$0x0];
	[tilespmem:s25+$0x30] =	vst v18  }
0x5a: {  	[tilespmem:s25+$0xFFFFFFD0] =	vst v19;
	v15 =	vld [tilespmem:s26+$0x10]  }
0x5b: {  	v14 =	vld [tilespmem:s26+$0xFFFFFFC0];
	[tilespmem:s28+$0xFFFFFFD0] =	vst v20  }
0x5c: {  	s30 =	sadd.s32 $0x100, s30;
	[tilespmem:s28+$0xFFFFFFE0] =	vst v21;
	v16 =	vld [tilespmem:s26+$0x20]  }
0x5d: {  	[tilespmem:s28+$0xFFFFFFF0] =	vst v12  }
0x5e: {  	[tilespmem:s28+$0x0] =	vst v13  }
0x5f: {  	[tilespmem:s28+$0x10] =	vst v15  }
0x60: {  	[tilespmem:s28+$0xFFFFFFC0] =	vst v14  }
0x61: {  	[tilespmem:s28+$0x20] =	vst v16  }
0x62: {  	v12 =	vld [tilespmem:$0x2010];
	_ =	sdelay $0x3  }
0x63: {  	vm0 =	veq.s32 v3, $0x0  }
0x64: {  	v12 =	vsel vm0, $0xFF61B1E6, v12  }
0x65: {  	s28 =	simm.s32 $0x2890;
	[tilespmem:$0x2010] =	vst v12  }
0x66: {  	v12 =	vld [tilespmem:s28+$0x0]  }
0x67: {  	v15 =	vld [tilespmem:s28+$0x1]  }
0x68: {  	v17 =	vld [tilespmem:s28+$0x2]  }
0x69: {  	v19 =	vld [tilespmem:s28+$0x3]  }
0x6a: {  	v2 =	vld [tilespmem:s28+$0x4]  }
0x6b: {  	v21 =	vld [tilespmem:s28+$0x5]  }
0x6c: {  	v22 =	vld [tilespmem:s28+$0x6]  }
0x6d: {  	v0 =	vld [tilespmem:s28+$0x7]  }
0x6e: {  	v24 =	vld [tilespmem:s28+$0x8]  }
0x6f: {  	v25 =	vld [tilespmem:s28+$0x9]  }
0x70: {  	v26 =	vld [tilespmem:s28+$0xA]  }
0x71: {  	v27 =	vld [tilespmem:s28+$0xB]  }
0x72: {  	v28 =	vld [tilespmem:s28+$0xC]  }
0x73: {  	s26 =	simm.s32 $0x2010;
	v29 =	vld [tilespmem:s28+$0xD]  }
0x74: {  	v30 =	vld [tilespmem:s26+$0x2]  }
0x75: {  	v31 =	vld [tilespmem:s26+$0x3]  }
0x76: {  	v32 =	vld [tilespmem:s26+$0x4]  }
0x77: {  	v33 =	vld [tilespmem:s26+$0x5]  }
0x78: {  	v34 =	vld [tilespmem:s26+$0x6]  }
0x79: {  	v35 =	vld [tilespmem:s26+$0x7]  }
0x7a: {  	v20 =	vld [tilespmem:s26+$0x8]  }
0x7b: {  	v37 =	vld [tilespmem:s26+$0x9]  }
0x7c: {  	v38 =	vld [tilespmem:s26+$0xA]  }
0x7d: {  	v39 =	vld [tilespmem:s26+$0xB]  }
0x7e: {  	v40 =	vld [tilespmem:s26+$0xC]  }
0x7f: {  	v41 =	vld [tilespmem:s26+$0xD]  }
0x80: {  	v42 =	vld [tilespmem:s26+$0xE]  }
0x81: {  	v43 =	vld [tilespmem:s26+$0xF]  }
0x82: {  	v16 =	vld [tilespmem:s28+$0xFFFFFFF0]  }
0x83: {  	v44 =	vld [tilespmem:s28+$0xFFFFFFF1]  }
0x84: {  	v45 =	vld [tilespmem:s28+$0xFFFFFFF2]  }
0x85: {  	v46 =	vld [tilespmem:s28+$0xFFFFFFF3]  }
0x86: {  	v47 =	vld [tilespmem:s28+$0xFFFFFFF4]  }
0x87: {  	v48 =	vld [tilespmem:s28+$0xFFFFFFF5]  }
0x88: {  	v49 =	vld [tilespmem:s28+$0xFFFFFFF6]  }
0x89: {  	v50 =	vld [tilespmem:s28+$0xFFFFFFF7]  }
0x8a: {  	v51 =	vld [tilespmem:s28+$0xFFFFFFF8]  }
0x8b: {  	v52 =	vld [tilespmem:s28+$0xFFFFFFF9]  }
0x8c: {  	v53 =	vld [tilespmem:s28+$0xFFFFFFFA]  }
0x8d: {  	v54 =	vld [tilespmem:s28+$0xFFFFFFFB]  }
0x8e: {  	v55 =	vld [tilespmem:s28+$0xFFFFFFFC]  }
0x8f: {  	v56 =	vld [tilespmem:s28+$0xFFFFFFFD]  }
0x90: {  	v57 =	vld [tilespmem:s26+$0xFFFFFFF2]  }
0x91: {  	v58 =	vld [tilespmem:s26+$0xFFFFFFF3]  }
0x92: {  	v59 =	vld [tilespmem:s26+$0xFFFFFFF4]  }
0x93: {  	v60 =	vld [tilespmem:s26+$0xFFFFFFF5]  }
0x94: {  	v61 =	vld [tilespmem:s26+$0xFFFFFFF6]  }
0x95: {  	v62 =	vld [tilespmem:s26+$0xFFFFFFF7]  }
0x96: {  	s25 =	simm.s32 $0x0;
	v63 =	vld [tilespmem:s26+$0xFFFFFFF8]  }
0x97: {  	v13 =	vimm.s32 $0x0;
	v18 =	vor.u32 s25, v3;
	v36 =	vld [tilespmem:s26+$0xFFFFFFF9]  }
0x98: {  	v14 =	vimm.f32 $-Inf;
	v23 =	vld [tilespmem:s26+$0xFFFFFFFA];
	v15 =	vmax.f32 v12, v15;
	v17 =	vmax.f32 v17, v19  }
0x99: {  	v1 =	vld [tilespmem:s26+$0xFFFFFFFB];
	v9 =	vmax.f32 v2, v21;
	v11 =	vmax.f32 v22, v0;
	v24 =	vmax.f32 v24, v25  }
0x9a: {  	v10 =	vld [tilespmem:s26+$0xFFFFFFFC];
	v4 =	vmax.f32 v26, v27;
	v6 =	vmax.f32 v28, v29;
	v7 =	vmax.f32 v30, v31  }
0x9b: {  	v5 =	vld [tilespmem:s26+$0xFFFFFFFD];
	v2 =	vmax.f32 v32, v33;
	v19 =	vmax.f32 v34, v35;
	v21 =	vmax.f32 v20, v37  }
0x9c: {  	v0 =	vld [tilespmem:s26+$0xFFFFFFFE];
	v22 =	vmax.f32 v38, v39;
	v20 =	vmax.f32 v16, v44;
	v27 =	vmax.f32 v40, v41  }
0x9d: {  	v39 =	vld [tilespmem:s26+$0xFFFFFFFF];
	v28 =	vmax.f32 v42, v43;
	v25 =	vmax.f32 v45, v46;
	v26 =	vmax.f32 v47, v48  }
0x9e: {  	v48 =	vld [tilespmem:s28+$0xE];
	v29 =	vmax.f32 v49, v50;
	v30 =	vmax.f32 v51, v52;
	v32 =	vmax.f32 v53, v54  }
0x9f: {  	v31 =	vmax.f32 v55, v56;
	v37 =	vmax.f32 v63, v36;
	v36 =	vmax.f32 v23, v1;
	v23 =	vld [tilespmem:s26+$0x10]  }
0xa0: {  	v33 =	vmax.f32 v57, v58;
	v34 =	vmax.f32 v59, v60;
	v35 =	vmax.f32 v61, v62  }
0xa1: {  	v38 =	vmax.f32 v10, v5;
	v45 =	vld [tilespmem:s28+$0xFFFFFFFE];
	v40 =	vmax.f32 v15, v17;
	v43 =	vmax.f32 v9, v11  }
0xa2: {  	v41 =	vmax.f32 v24, v4;
	v24 =	vld [tilespmem:s26+$0x0];
	v42 =	vmax.f32 v7, v2;
	v17 =	vimm.f32 $-Inf  }
0xa3: {  	s29 =	simm.s32 $0x28B0;
	s28 =	simm.s32 $0x0;
	v15 =	vimm.s32 $0x0;
	v39 =	vmax.f32 v0, v39;
	v44 =	vmax.f32 v6, v48  }
.LBB2_4:
0xa4: {  	v0 =	vld [tilespmem:s29+$0x0];
	v1 =	vmax.f32 v19, v21;
	v2 =	vmax.f32 v22, v27;
	v4 =	vmax.f32 v28, v23  }
0xa5: {  	v5 =	vmax.f32 v20, v25;
	v6 =	vmax.f32 v26, v29;
	v7 =	vmax.f32 v30, v32;
	v19 =	vld [tilespmem:s29+$0x1]  }
0xa6: {  	v10 =	vmax.f32 v33, v34;
	v11 =	vmax.f32 v35, v37;
	v20 =	vld [tilespmem:s29+$0x2];
	v9 =	vmax.f32 v31, v45  }
0xa7: {  	v25 =	vmax.f32 v36, v38;
	v27 =	vmax.f32 v40, v43;
	v21 =	vld [tilespmem:s29+$0x3];
	v26 =	vmax.f32 v39, v24  }
0xa8: {  	v5 =	vmax.f32 v5, v6;
	v6 =	vmax.f32 v41, v44;
	v1 =	vmax.f32 v42, v1;
	v22 =	vld [tilespmem:s29+$0x4]  }
0xa9: {  	v7 =	vmax.f32 v7, v9;
	v9 =	vmax.f32 v10, v11;
	v10 =	vmax.f32 v25, v26;
	v28 =	vld [tilespmem:s29+$0x5]  }
0xaa: {  	v2 =	vmax.f32 v2, v4;
	v5 =	vmax.f32 v5, v7;
	v7 =	vmax.f32 v9, v10;
	v11 =	vld [tilespmem:s29+$0x6]  }
0xab: {  	s30 =	sadd.s32 $0x10, s25;
	v6 =	vmax.f32 v27, v6;
	v5 =	vadd.f32 v24, v5;
	v7 =	vadd.f32 v7, v16;
	v4 =	vld [tilespmem:s29+$0x7]  }
0xac: {  	v1 =	vmax.f32 v1, v2;
	v2 =	vadd.f32 v23, v6;
	v6 =	vor.u32 s30, v3;
	v9 =	vld [tilespmem:s29+$0x8]  }
0xad: {  	v1 =	vadd.f32 v1, v12;
	v12 =	vmovc v0;
	vm0 =	vgt.f32 v5, v14;
	vm1 =	vgt.f32 v7, v17;
	v10 =	vld [tilespmem:s29+$0x9]  }
0xae: {  	v5 =	vsel vm0, v5, v14;
	v7 =	vsel vm1, v7, v17;
	v13 =	vsel vm1, v18, v13;
	v0 =	vld [tilespmem:s29+$0xA]  }
0xaf: {  	v15 =	vsel vm0, v18, v15;
	vm0 =	vgt.f32 v2, v5;
	vm1 =	vgt.f32 v1, v7;
	v23 =	vld [tilespmem:s29+$0xB]  }
0xb0: {  	v14 =	vsel vm0, v2, v5;
	v17 =	vsel vm1, v1, v7;
	v13 =	vsel vm1, v6, v13;
	v24 =	vld [tilespmem:s29+$0xC]  }
0xb1: {  	s26 =	sadd.s32 $0x20, s26;
	v15 =	vsel vm0, v6, v15;
	v1 =	vld [tilespmem:s29+$0xD]  }
0xb2: {  	v2 =	vld [tilespmem:s26+$0x2]  }
0xb3: {  	v5 =	vld [tilespmem:s26+$0x3]  }
0xb4: {  	v6 =	vld [tilespmem:s26+$0x4]  }
0xb5: {  	v7 =	vld [tilespmem:s26+$0x5]  }
0xb6: {  	v25 =	vld [tilespmem:s26+$0x6]  }
0xb7: {  	v26 =	vld [tilespmem:s26+$0x7]  }
0xb8: {  	v27 =	vld [tilespmem:s26+$0x8]  }
0xb9: {  	v29 =	vld [tilespmem:s26+$0x9]  }
0xba: {  	v30 =	vld [tilespmem:s26+$0xA]  }
0xbb: {  	v31 =	vld [tilespmem:s26+$0xB]  }
0xbc: {  	v32 =	vld [tilespmem:s26+$0xC]  }
0xbd: {  	v33 =	vld [tilespmem:s26+$0xD]  }
0xbe: {  	v34 =	vld [tilespmem:s26+$0xE]  }
0xbf: {  	v35 =	vld [tilespmem:s26+$0xF]  }
0xc0: {  	v16 =	vld [tilespmem:s29+$0xFFFFFFF0]  }
0xc1: {  	v36 =	vld [tilespmem:s29+$0xFFFFFFF1]  }
0xc2: {  	v37 =	vld [tilespmem:s29+$0xFFFFFFF2]  }
0xc3: {  	v38 =	vld [tilespmem:s29+$0xFFFFFFF3]  }
0xc4: {  	v39 =	vld [tilespmem:s29+$0xFFFFFFF4]  }
0xc5: {  	v40 =	vld [tilespmem:s29+$0xFFFFFFF5]  }
0xc6: {  	v41 =	vld [tilespmem:s29+$0xFFFFFFF6]  }
0xc7: {  	v42 =	vld [tilespmem:s29+$0xFFFFFFF7]  }
0xc8: {  	v43 =	vld [tilespmem:s29+$0xFFFFFFF8]  }
0xc9: {  	v44 =	vld [tilespmem:s29+$0xFFFFFFF9]  }
0xca: {  	v45 =	vld [tilespmem:s29+$0xFFFFFFFA]  }
0xcb: {  	v46 =	vld [tilespmem:s29+$0xFFFFFFFB]  }
0xcc: {  	v47 =	vld [tilespmem:s29+$0xFFFFFFFC]  }
0xcd: {  	v48 =	vld [tilespmem:s29+$0xFFFFFFFD]  }
0xce: {  	v49 =	vld [tilespmem:s26+$0xFFFFFFF2]  }
0xcf: {  	v50 =	vld [tilespmem:s26+$0xFFFFFFF3]  }
0xd0: {  	v51 =	vld [tilespmem:s26+$0xFFFFFFF4]  }
0xd1: {  	v52 =	vld [tilespmem:s26+$0xFFFFFFF5]  }
0xd2: {  	v53 =	vld [tilespmem:s26+$0xFFFFFFF6]  }
0xd3: {  	v54 =	vld [tilespmem:s26+$0xFFFFFFF7]  }
0xd4: {  	v55 =	vld [tilespmem:s26+$0xFFFFFFF8]  }
0xd5: {  	s25 =	sadd.s32 $0x20, s25;
	v56 =	vld [tilespmem:s26+$0xFFFFFFF9]  }
0xd6: {  	v18 =	vor.u32 s25, v3;
	v57 =	vld [tilespmem:s26+$0xFFFFFFFA]  }
0xd7: {  	v59 =	vmax.f32 v12, v19;
	v60 =	vmax.f32 v20, v21;
	v61 =	vmax.f32 v22, v28;
	v58 =	vld [tilespmem:s26+$0xFFFFFFFB]  }
0xd8: {  	v4 =	vmax.f32 v11, v4;
	v9 =	vmax.f32 v9, v10;
	v0 =	vmax.f32 v0, v23;
	v62 =	vld [tilespmem:s26+$0xFFFFFFFC]  }
0xd9: {  	v1 =	vmax.f32 v24, v1;
	v2 =	vmax.f32 v2, v5;
	v5 =	vmax.f32 v6, v7;
	v10 =	vld [tilespmem:s26+$0xFFFFFFFD]  }
0xda: {  	v19 =	vmax.f32 v25, v26;
	v21 =	vmax.f32 v27, v29;
	v22 =	vmax.f32 v30, v31;
	v6 =	vld [tilespmem:s26+$0xFFFFFFFE]  }
0xdb: {  	s28 =	sadd.s32 $0x2, s28;
	v27 =	vmax.f32 v32, v33;
	v28 =	vmax.f32 v34, v35;
	v20 =	vmax.f32 v16, v36;
	v7 =	vld [tilespmem:s26+$0xFFFFFFFF]  }
0xdc: {  	p0 =	slt.u32 s28, $0x7E;
	v25 =	vmax.f32 v37, v38;
	v26 =	vmax.f32 v39, v40;
	v29 =	vmax.f32 v41, v42;
	v11 =	vld [tilespmem:s29+$0xE]  }
.Ltmp3:
0xdd: {  	v30 =	vmax.f32 v43, v44;
	v32 =	vmax.f32 v45, v46;
	v31 =	vmax.f32 v47, v48;
	v23 =	vld [tilespmem:s26+$0x10];
	(pc) =	sbr.rel @p0 .LBB2_4-.Ltmp3, $4  }
0xde: {  	v33 =	vmax.f32 v49, v50;
	v34 =	vmax.f32 v51, v52;
	v35 =	vmax.f32 v53, v54  }
0xdf: {  	v37 =	vmax.f32 v55, v56;
	v36 =	vmax.f32 v57, v58;
	v38 =	vmax.f32 v62, v10;
	v45 =	vld [tilespmem:s29+$0xFFFFFFFE]  }
0xe0: {  	v40 =	vmax.f32 v59, v60;
	v43 =	vmax.f32 v61, v4;
	v24 =	vld [tilespmem:s26+$0x0];
	v39 =	vmax.f32 v6, v7  }
0xe1: {  	v41 =	vmax.f32 v9, v0;
	v42 =	vmax.f32 v2, v5;
	s29 =	sadd.s32 $0x20, s29;
	v44 =	vmax.f32 v1, v11  }
0xe2: {  	v0 =	vmax.f32 v19, v21;
	v1 =	vmax.f32 v22, v27;
	v2 =	vmax.f32 v28, v23  }
0xe3: {  	v4 =	vmax.f32 v20, v25;
	v5 =	vmax.f32 v26, v29;
	v6 =	vmax.f32 v30, v32  }
0xe4: {  	v9 =	vmax.f32 v33, v34;
	v10 =	vmax.f32 v35, v37;
	v11 =	vmax.f32 v36, v38  }
0xe5: {  	v62 =	vmax.f32 v40, v43;
	v4 =	vmax.f32 v4, v5;
	v7 =	vmax.f32 v31, v45  }
0xe6: {  	v5 =	vmax.f32 v41, v44;
	v61 =	vmax.f32 v39, v24;
	v6 =	vmax.f32 v6, v7  }
0xe7: {  	v7 =	vmax.f32 v9, v10;
	v9 =	vmax.f32 v11, v61;
	v4 =	vmax.f32 v4, v6  }
0xe8: {  	v0 =	vmax.f32 v42, v0;
	v6 =	vmax.f32 v7, v9;
	v4 =	vadd.f32 v24, v4  }
0xe9: {  	v1 =	vmax.f32 v1, v2;
	v5 =	vmax.f32 v62, v5;
	v11 =	vld [tilespmem:$0x1FFC0];
	v2 =	vadd.f32 v6, v16  }
0xea: {  	v0 =	vmax.f32 v0, v1;
	v1 =	vadd.f32 v23, v5;
	vm0 =	vgt.f32 v4, v14  }
0xeb: {  	v0 =	vadd.f32 v0, v12;
	vm1 =	vgt.f32 v2, v17;
	v4 =	vsel vm0, v4, v14  }
0xec: {  	v12 =	vld [tilespmem:$0x1FFD0];
	v2 =	vsel vm1, v2, v17;
	vm2 =	vgt.f32 v1, v4  }
0xed: {  	vm3 =	vgt.f32 v0, v2;
	v1 =	vsel vm2, v1, v4  }
0xee: {  	v0 =	vsel vm3, v0, v2;
	v2 =	vperm.xlane v1, v11  }
0xef: {  	v14 =	vld [tilespmem:$0x1FFE0];
	v4 =	vperm.xlane v0, v11  }
0xf0: {  	v2 =	vmax.f32 v1, v2  }
0xf1: {  	v5 =	vperm.xlane v2, v12;
	v4 =	vmax.f32 v0, v4  }
0xf2: {  	v63 =	vld [tilespmem:$0x1FFF0];
	v6 =	vperm.xlane v4, v12  }
0xf3: {  	v2 =	vmax.f32 v2, v5  }
0xf4: {  	v5 =	vperm.xlane v2, v14;
	v4 =	vmax.f32 v4, v6  }
0xf5: {  	v6 =	vperm.xlane v4, v14  }
0xf6: {  	v2 =	vmax.f32 v2, v5  }
0xf7: {  	s25 =	sadd.s32 $0x10, s25;
	v5 =	vperm.xlane v2, v63;
	v4 =	vmax.f32 v4, v6  }
0xf8: {  	v10 =	vor.u32 s25, v3;
	v7 =	vperm.xlane v4, v63  }
0xf9: {  	v9 =	vsel vm0, v18, v15;
	v6 =	vsel vm1, v18, v13;
	v2 =	vmax.f32 v2, v5  }
0xfa: {  	v5 =	vsel vm2, v10, v9;
	vm4 =	veq.f32 v1, v2;
	v1 =	vmax.f32 v4, v7  }
0xfb: {  	v2 =	vsel vm3, v10, v6;
	v4 =	vnsel vm4, $0x800, v5;
	vm5 =	veq.f32 v0, v1  }
0xfc: {  	v0 =	vperm.xlane v4, v11;
	v2 =	vnsel vm5, $0x800, v2  }
0xfd: {  	v5 =	vperm.xlane v2, v11  }
0xfe: {  	vm6 =	vlt.s32 v4, v0  }
0xff: {  	v0 =	vsel vm6, v4, v0;
	vm7 =	vlt.s32 v2, v5  }
0x100: {  	v4 =	vperm.xlane v0, v12;
	v2 =	vsel vm7, v2, v5  }
0x101: {  	v5 =	vperm.xlane v2, v12  }
0x102: {  	vm8 =	vlt.s32 v0, v4  }
0x103: {  	v0 =	vsel vm8, v0, v4;
	vm9 =	vlt.s32 v2, v5;
	v4 =	vld.msk [tilespmem:s6+$0x0], $0xffff  }
0x104: {  	v6 =	vperm.xlane v0, v14;
	v2 =	vsel vm9, v2, v5;
	v5 =	vld.msk [tilespmem:s14+$0x0], $0xffff  }
0x105: {  	v7 =	vperm.xlane v2, v14  }
0x106: {  	vm10 =	vlt.s32 v0, v6  }
0x107: {  	v0 =	vsel vm10, v0, v6;
	vm11 =	vlt.s32 v2, v7  }
0x108: {  	v6 =	vperm.xlane v0, v63;
	v2 =	vsel vm11, v2, v7  }
0x109: {  	v7 =	vperm.xlane v2, v63;
	v9 =	vadd.f32 v5, v4  }
0x10a: {  	vm12 =	vlt.s32 v0, v6  }
0x10b: {  	v0 =	vsel vm12, v0, v6;
	vm13 =	vlt.s32 v2, v7;
	vm14 =	vgt.f32 v9, v1  }
0x10c: {  	v1 =	vsel vm13, v2, v7;
	v0 =	vsel vm14, $0x0, v0  }
0x10d: {  	v1 =	vsel vm14, $0x0, v1;
	v2 =	vshll.u32 v0, $0x1  }
0x10e: {  	v0 =	vand.u32 $0x7F, v0;
	v2 =	vand.u32 $0xFFFFFF00, v2;
	v6 =	vshll.u32 v1, $0x1  }
0x10f: {  	v0 =	vor.u32 v0, v2;
	v2 =	vand.u32 $0xFFFFFF00, v6;
	v6 =	vld [tilespmem:$0x1FFA0]  }
0x110: {  	v1 =	vand.u32 $0x7F, v1  }
0x111: {  	v1 =	vor.u32 v1, v2;
	_ =	sdelay $0x2  }
0x112: {  	v7 =	vld [tilespmem:$0x1FF80]  }
0x113: {  	v0 =	vld.idx.msk [tilespmem:v0+s6+$0x0], $0xffff  }
0x114: {  	v1 =	vld.idx.msk [tilespmem:v1+s14+$0x0], $0xffff  }
0x115: {  	v2 =	vld.idx.msk [tilespmem:v6+s17+$0x0], $0xffff  }
0x116: {  	v6 =	vld.idx.msk [tilespmem:v6+s15+$0x0], $0xffff;
	_ =	sdelay $0x2  }
0x117: {  	v12 =	vsub.f32 $1.000000000e+00, v7  }
0x118: {  	v0 =	vmul.f32 v1, v0;
	v1 =	vmul.f32 v5, v4  }
0x119: {  	v2 =	vmul.f32 v2, v7;
	v4 =	vmul.f32 v6, v12  }
0x11a: {  	v0 =	vsub.f32 v1, v0;
	v1 =	vld [tilespmem:$0x1FF90]  }
0x11b: {  	v2 =	vadd.f32 v4, v2;
	_ =	sdelay $0x1  }
0x11c: {  	v0 =	vadd.f32 v2, v0;
	_ =	sdelay $0x1  }
0x11d: {  	vm15 =	vgt.f32 v0, v1  }
0x11e: {  	v0 =	vsel vm15, $0x3F800000, v8  }
0x11f: {  	(xrf0) =	vmax.scan.msk.f32 $0xffff, v0;
	_ =	sdelay $0x5  }
0x120: {  	v0, _, _ =	vpop (xrf0)  }
0x121: {  	(v2sf) =	vpush v0, $0xF;
	_ =	sdelay $0xe  }
0x122: {  	s31 =	spop (v2sf)  }
0x123: {  	p0 =	sgt.f32 s31, $0.0e+00  }
.Ltmp4:
0x124: {  	_ = 	snop;
	(pc) =	sbr.rel @!p0 .LBB2_9-.Ltmp4, $1  }
0x125: {  	_ =	sdelay $0x3  }
0x126: {  	s25 =	simm.s32 $0x40  }
0x127: {  	[tilespmem:s25+$0x30] =	vst v8  }
0x128: {  	[tilespmem:s25+$0xFFFFFFF0] =	vst v8  }
0x129: {  	[tilespmem:s25+$0xFFFFFFC0] =	vst v8  }
0x12a: {  	[tilespmem:s25+$0xFFFFFFE0] =	vst v8  }
0x12b: {  	[tilespmem:s25+$0x10] =	vst v8  }
0x12c: {  	[tilespmem:s25+$0x20] =	vst v8  }
0x12d: {  	[tilespmem:s25+$0x0] =	vst v8  }
0x12e: {  	s26 =	simm.s32 $0x1040;
	[tilespmem:s25+$0xFFFFFFD0] =	vst v8  }
0x12f: {  	[tilespmem:s26+$0xFFFFFFC0] =	vst v8  }
0x130: {  	[tilespmem:s26+$0x30] =	vst v8  }
0x131: {  	[tilespmem:s26+$0x20] =	vst v8  }
0x132: {  	[tilespmem:s26+$0x10] =	vst v8  }
0x133: {  	[tilespmem:s26+$0xFFFFFFE0] =	vst v8  }
0x134: {  	[tilespmem:s26+$0x0] =	vst v8  }
0x135: {  	s28 =	simm.s32 $0x0;
	[tilespmem:s26+$0xFFFFFFF0] =	vst v8  }
.LBB2_7:
0x136: {  	s28 =	sadd.s32 $0x8, s28;
	[tilespmem:s26+$0xFFFFFFD0] =	vst v8;
	s25 =	sadd.s32 $0x100, s25;
	s26 =	sadd.s32 $0x100, s26  }
0x137: {  	[tilespmem:s25+$0x30] =	vst v8;
	p0 =	slt.u32 s28, $0x78  }
0x138: {  	[tilespmem:s25+$0xFFFFFFF0] =	vst v8  }
0x139: {  	[tilespmem:s25+$0xFFFFFFC0] =	vst v8  }
0x13a: {  	[tilespmem:s26+$0xFFFFFFC0] =	vst v8  }
0x13b: {  	[tilespmem:s26+$0x30] =	vst v8  }
0x13c: {  	[tilespmem:s25+$0xFFFFFFE0] =	vst v8  }
0x13d: {  	[tilespmem:s25+$0x10] =	vst v8  }
0x13e: {  	[tilespmem:s25+$0x20] =	vst v8  }
0x13f: {  	[tilespmem:s26+$0x20] =	vst v8  }
0x140: {  	[tilespmem:s26+$0x10] =	vst v8  }
.Ltmp5:
0x141: {  	[tilespmem:s26+$0xFFFFFFE0] =	vst v8;
	(pc) =	sbr.rel @p0 .LBB2_7-.Ltmp5, $4  }
0x142: {  	[tilespmem:s25+$0x0] =	vst v8  }
0x143: {  	[tilespmem:s26+$0x0] =	vst v8  }
0x144: {  	[tilespmem:s26+$0xFFFFFFF0] =	vst v8  }
0x145: {  	[tilespmem:s25+$0xFFFFFFD0] =	vst v8  }
0x146: {  	[tilespmem:s26+$0xFFFFFFD0] =	vst v8  }
.LBB2_9:
0x147: {  	s28 =	simm.s32 $0xF0  }
0x148: {  	v0 =	vld [tilespmem:s28+$0x0]  }
0x149: {  	v1 =	vld [tilespmem:s28+$0xFFFFFFA0]  }
0x14a: {  	v2 =	vld [tilespmem:s28+$0xFFFFFFB0]  }
0x14b: {  	v4 =	vld [tilespmem:s28+$0xFFFFFFC0]  }
0x14c: {  	s25 =	simm.s32 $0x2040;
	v5 =	vld [tilespmem:s28+$0xFFFFFFD0]  }
0x14d: {  	v6 =	vld [tilespmem:s28+$0xFFFFFFE0];
	[tilespmem:s25+$0x40] =	vst v0  }
0x14e: {  	[tilespmem:s25+$0xFFFFFFE0] =	vst v1;
	v1 =	vld [tilespmem:s28+$0xFFFFFFF0]  }
0x14f: {  	s26 =	simm.s32 $0x10F0;
	[tilespmem:s25+$0xFFFFFFF0] =	vst v2;
	v2 =	vld [tilespmem:s28+$0xFFFFFF90]  }
0x150: {  	[tilespmem:s25+$0x0] =	vst v4;
	v0 =	vld [tilespmem:s26+$0x0]  }
0x151: {  	[tilespmem:s25+$0x10] =	vst v5;
	v4 =	vld [tilespmem:s26+$0xFFFFFFA0]  }
0x152: {  	[tilespmem:s25+$0x20] =	vst v6;
	v5 =	vld [tilespmem:s26+$0xFFFFFFB0]  }
0x153: {  	v13 =	vld [tilespmem:s26+$0xFFFFFFC0];
	[tilespmem:s25+$0x30] =	vst v1  }
0x154: {  	s28 =	simm.s32 $0x28C0;
	v14 =	vld [tilespmem:s26+$0xFFFFFFD0];
	[tilespmem:s25+$0xFFFFFFD0] =	vst v2  }
0x155: {  	v16 =	vld [tilespmem:s26+$0xFFFFFFE0];
	[tilespmem:s28+$0x30] =	vst v0  }
0x156: {  	v15 =	vld [tilespmem:s26+$0xFFFFFF90];
	[tilespmem:s28+$0xFFFFFFD0] =	vst v4  }
0x157: {  	s29 =	simm.s32 $0x0;
	s30 =	simm.s32 $0x1F0;
	[tilespmem:s28+$0xFFFFFFE0] =	vst v5;
	v17 =	vld [tilespmem:s26+$0xFFFFFFF0]  }
.LBB2_10:
0x158: {  	v0 =	vld [tilespmem:s30+$0x0];
	s29 =	sadd.s32 $0x8, s29;
	[tilespmem:s28+$0xFFFFFFF0] =	vst v13  }
0x159: {  	v1 =	vld [tilespmem:s30+$0xFFFFFFA0];
	p0 =	slt.u32 s29, $0x78;
	[tilespmem:s28+$0x0] =	vst v14  }
0x15a: {  	v2 =	vld [tilespmem:s30+$0xFFFFFFB0];
	[tilespmem:s28+$0x10] =	vst v16  }
0x15b: {  	v4 =	vld [tilespmem:s30+$0xFFFFFFC0];
	[tilespmem:s28+$0xFFFFFFC0] =	vst v15  }
0x15c: {  	s25 =	sadd.s32 $0x80, s25;
	v5 =	vld [tilespmem:s30+$0xFFFFFFD0];
	[tilespmem:s28+$0x20] =	vst v17  }
0x15d: {  	s26 =	sadd.s32 $0x100, s26;
	v6 =	vld [tilespmem:s30+$0xFFFFFFE0];
	[tilespmem:s25+$0x40] =	vst v0  }
0x15e: {  	[tilespmem:s25+$0xFFFFFFE0] =	vst v1;
	v0 =	vld [tilespmem:s26+$0x0]  }
0x15f: {  	[tilespmem:s25+$0xFFFFFFF0] =	vst v2;
	v1 =	vld [tilespmem:s30+$0xFFFFFFF0]  }
0x160: {  	v2 =	vld [tilespmem:s30+$0xFFFFFF90];
	[tilespmem:s25+$0x0] =	vst v4  }
0x161: {  	v4 =	vld [tilespmem:s26+$0xFFFFFFA0];
	[tilespmem:s25+$0x10] =	vst v5  }
0x162: {  	s28 =	sadd.s32 $0x80, s28;
	v5 =	vld [tilespmem:s26+$0xFFFFFFB0];
	[tilespmem:s25+$0x20] =	vst v6  }
.Ltmp6:
0x163: {  	v13 =	vld [tilespmem:s26+$0xFFFFFFC0];
	[tilespmem:s28+$0x30] =	vst v0;
	(pc) =	sbr.rel @p0 .LBB2_10-.Ltmp6, $4  }
0x164: {  	v14 =	vld [tilespmem:s26+$0xFFFFFFD0];
	[tilespmem:s25+$0x30] =	vst v1  }
0x165: {  	[tilespmem:s25+$0xFFFFFFD0] =	vst v2;
	v16 =	vld [tilespmem:s26+$0xFFFFFFE0]  }
0x166: {  	v15 =	vld [tilespmem:s26+$0xFFFFFF90];
	[tilespmem:s28+$0xFFFFFFD0] =	vst v4  }
0x167: {  	s30 =	sadd.s32 $0x100, s30;
	[tilespmem:s28+$0xFFFFFFE0] =	vst v5;
	v17 =	vld [tilespmem:s26+$0xFFFFFFF0]  }
0x168: {  	[tilespmem:s28+$0xFFFFFFF0] =	vst v13  }
0x169: {  	[tilespmem:s28+$0x0] =	vst v14  }
0x16a: {  	[tilespmem:s28+$0x10] =	vst v16  }
0x16b: {  	[tilespmem:s28+$0xFFFFFFC0] =	vst v15  }
0x16c: {  	[tilespmem:s28+$0x20] =	vst v17  }
0x16d: {  	v0 =	vld [tilespmem:$0x2010];
	_ =	sdelay $0x3  }
0x16e: {  	vm0 =	veq.s32 v3, $0x0  }
0x16f: {  	v0 =	vsel vm0, $0xFF61B1E6, v0  }
0x170: {  	s28 =	simm.s32 $0x2890;
	[tilespmem:$0x2010] =	vst v0  }
0x171: {  	v13 =	vld [tilespmem:s28+$0x0]  }
0x172: {  	v0 =	vld [tilespmem:s28+$0x1]  }
0x173: {  	v1 =	vld [tilespmem:s28+$0x2]  }
0x174: {  	v2 =	vld [tilespmem:s28+$0x3]  }
0x175: {  	v4 =	vld [tilespmem:s28+$0x4]  }
0x176: {  	v5 =	vld [tilespmem:s28+$0x5]  }
0x177: {  	v6 =	vld [tilespmem:s28+$0x6]  }
0x178: {  	v7 =	vld [tilespmem:s28+$0x7]  }
0x179: {  	v9 =	vld [tilespmem:s28+$0x8]  }
0x17a: {  	v10 =	vld [tilespmem:s28+$0x9]  }
0x17b: {  	v11 =	vld [tilespmem:s28+$0xA]  }
0x17c: {  	v16 =	vld [tilespmem:s28+$0xB]  }
0x17d: {  	v18 =	vld [tilespmem:s28+$0xC]  }
0x17e: {  	s26 =	simm.s32 $0x2010;
	v20 =	vld [tilespmem:s28+$0xD]  }
0x17f: {  	v21 =	vld [tilespmem:s26+$0x2]  }
0x180: {  	v22 =	vld [tilespmem:s26+$0x3]  }
0x181: {  	v23 =	vld [tilespmem:s26+$0x4]  }
0x182: {  	v24 =	vld [tilespmem:s26+$0x5]  }
0x183: {  	v25 =	vld [tilespmem:s26+$0x6]  }
0x184: {  	v26 =	vld [tilespmem:s26+$0x7]  }
0x185: {  	v27 =	vld [tilespmem:s26+$0x8]  }
0x186: {  	v28 =	vld [tilespmem:s26+$0x9]  }
0x187: {  	v29 =	vld [tilespmem:s26+$0xA]  }
0x188: {  	v30 =	vld [tilespmem:s26+$0xB]  }
0x189: {  	v31 =	vld [tilespmem:s26+$0xC]  }
0x18a: {  	v32 =	vld [tilespmem:s26+$0xD]  }
0x18b: {  	v33 =	vld [tilespmem:s26+$0xE]  }
0x18c: {  	v34 =	vld [tilespmem:s26+$0xF]  }
0x18d: {  	v17 =	vld [tilespmem:s28+$0xFFFFFFF0]  }
0x18e: {  	v35 =	vld [tilespmem:s28+$0xFFFFFFF1]  }
0x18f: {  	v36 =	vld [tilespmem:s28+$0xFFFFFFF2]  }
0x190: {  	v37 =	vld [tilespmem:s28+$0xFFFFFFF3]  }
0x191: {  	v38 =	vld [tilespmem:s28+$0xFFFFFFF4]  }
0x192: {  	v39 =	vld [tilespmem:s28+$0xFFFFFFF5]  }
0x193: {  	v40 =	vld [tilespmem:s28+$0xFFFFFFF6]  }
0x194: {  	v41 =	vld [tilespmem:s28+$0xFFFFFFF7]  }
0x195: {  	v42 =	vld [tilespmem:s28+$0xFFFFFFF8]  }
0x196: {  	v43 =	vld [tilespmem:s28+$0xFFFFFFF9]  }
0x197: {  	v44 =	vld [tilespmem:s28+$0xFFFFFFFA]  }
0x198: {  	v45 =	vld [tilespmem:s28+$0xFFFFFFFB]  }
0x199: {  	v46 =	vld [tilespmem:s28+$0xFFFFFFFC]  }
0x19a: {  	v47 =	vld [tilespmem:s28+$0xFFFFFFFD]  }
0x19b: {  	v48 =	vld [tilespmem:s26+$0xFFFFFFF2]  }
0x19c: {  	v49 =	vld [tilespmem:s26+$0xFFFFFFF3]  }
0x19d: {  	v50 =	vld [tilespmem:s26+$0xFFFFFFF4]  }
0x19e: {  	v51 =	vld [tilespmem:s26+$0xFFFFFFF5]  }
0x19f: {  	v52 =	vld [tilespmem:s26+$0xFFFFFFF6]  }
0x1a0: {  	v53 =	vld [tilespmem:s26+$0xFFFFFFF7]  }
0x1a1: {  	s25 =	simm.s32 $0x0;
	v54 =	vld [tilespmem:s26+$0xFFFFFFF8]  }
0x1a2: {  	v14 =	vimm.s32 $0x0;
	v19 =	vor.u32 s25, v3;
	v55 =	vld [tilespmem:s26+$0xFFFFFFF9]  }
0x1a3: {  	v15 =	vimm.f32 $-Inf;
	v56 =	vld [tilespmem:s26+$0xFFFFFFFA];
	v0 =	vmax.f32 v13, v0;
	v1 =	vmax.f32 v1, v2  }
0x1a4: {  	v57 =	vld [tilespmem:s26+$0xFFFFFFFB];
	v2 =	vmax.f32 v4, v5;
	v5 =	vmax.f32 v6, v7;
	v6 =	vmax.f32 v9, v10  }
0x1a5: {  	v58 =	vld [tilespmem:s28+$0xE];
	v7 =	vmax.f32 v11, v16;
	v10 =	vmax.f32 v18, v20;
	v11 =	vmax.f32 v21, v22  }
0x1a6: {  	v4 =	vld [tilespmem:s26+$0xFFFFFFFC];
	v16 =	vmax.f32 v23, v24;
	v20 =	vmax.f32 v25, v26;
	v22 =	vmax.f32 v27, v28  }
0x1a7: {  	v18 =	vld [tilespmem:s26+$0xFFFFFFFE];
	v23 =	vmax.f32 v29, v30;
	v21 =	vmax.f32 v17, v35;
	v28 =	vmax.f32 v31, v32  }
0x1a8: {  	v25 =	vld [tilespmem:s26+$0xFFFFFFFF];
	v29 =	vmax.f32 v33, v34;
	v26 =	vmax.f32 v36, v37;
	v27 =	vmax.f32 v38, v39  }
0x1a9: {  	v9 =	vld [tilespmem:s26+$0xFFFFFFFD];
	v30 =	vmax.f32 v40, v41;
	v31 =	vmax.f32 v42, v43;
	v33 =	vmax.f32 v44, v45  }
0x1aa: {  	v32 =	vmax.f32 v46, v47;
	v34 =	vmax.f32 v48, v49;
	v35 =	vmax.f32 v50, v51;
	v24 =	vld [tilespmem:s26+$0x10]  }
0x1ab: {  	v36 =	vmax.f32 v52, v53;
	v38 =	vmax.f32 v54, v55;
	v37 =	vmax.f32 v56, v57  }
0x1ac: {  	v46 =	vld [tilespmem:s28+$0xFFFFFFFE];
	v41 =	vmax.f32 v0, v1;
	v44 =	vmax.f32 v2, v5;
	v42 =	vmax.f32 v6, v7  }
0x1ad: {  	v45 =	vmax.f32 v10, v58;
	v43 =	vmax.f32 v11, v16;
	v40 =	vmax.f32 v18, v25;
	v25 =	vld [tilespmem:s26+$0x0]  }
0x1ae: {  	s29 =	simm.s32 $0x28B0;
	s28 =	simm.s32 $0x0;
	v16 =	vimm.s32 $0x0;
	v39 =	vmax.f32 v4, v9;
	v18 =	vimm.f32 $-Inf  }
.LBB2_12:
0x1af: {  	v0 =	vld [tilespmem:s29+$0x0];
	v1 =	vmax.f32 v20, v22;
	v2 =	vmax.f32 v23, v28;
	v4 =	vmax.f32 v29, v24  }
0x1b0: {  	v5 =	vmax.f32 v21, v26;
	v6 =	vmax.f32 v27, v30;
	v7 =	vmax.f32 v31, v33;
	v20 =	vld [tilespmem:s29+$0x1]  }
0x1b1: {  	v10 =	vmax.f32 v34, v35;
	v11 =	vmax.f32 v36, v38;
	v21 =	vld [tilespmem:s29+$0x2];
	v9 =	vmax.f32 v32, v46  }
0x1b2: {  	v26 =	vmax.f32 v37, v39;
	v28 =	vmax.f32 v41, v44;
	v22 =	vld [tilespmem:s29+$0x3];
	v27 =	vmax.f32 v40, v25  }
0x1b3: {  	v5 =	vmax.f32 v5, v6;
	v6 =	vmax.f32 v42, v45;
	v1 =	vmax.f32 v43, v1;
	v23 =	vld [tilespmem:s29+$0x4]  }
0x1b4: {  	v7 =	vmax.f32 v7, v9;
	v9 =	vmax.f32 v10, v11;
	v10 =	vmax.f32 v26, v27;
	v29 =	vld [tilespmem:s29+$0x5]  }
0x1b5: {  	v2 =	vmax.f32 v2, v4;
	v5 =	vmax.f32 v5, v7;
	v7 =	vmax.f32 v9, v10;
	v11 =	vld [tilespmem:s29+$0x6]  }
0x1b6: {  	s30 =	sadd.s32 $0x10, s25;
	v6 =	vmax.f32 v28, v6;
	v5 =	vadd.f32 v25, v5;
	v7 =	vadd.f32 v7, v17;
	v4 =	vld [tilespmem:s29+$0x7]  }
0x1b7: {  	v1 =	vmax.f32 v1, v2;
	v2 =	vadd.f32 v24, v6;
	v6 =	vor.u32 s30, v3;
	v9 =	vld [tilespmem:s29+$0x8]  }
0x1b8: {  	v1 =	vadd.f32 v1, v13;
	v13 =	vmovc v0;
	vm0 =	vgt.f32 v5, v15;
	vm1 =	vgt.f32 v7, v18;
	v10 =	vld [tilespmem:s29+$0x9]  }
0x1b9: {  	v5 =	vsel vm0, v5, v15;
	v7 =	vsel vm1, v7, v18;
	v14 =	vsel vm1, v19, v14;
	v0 =	vld [tilespmem:s29+$0xA]  }
0x1ba: {  	v16 =	vsel vm0, v19, v16;
	vm0 =	vgt.f32 v2, v5;
	vm1 =	vgt.f32 v1, v7;
	v24 =	vld [tilespmem:s29+$0xB]  }
0x1bb: {  	v15 =	vsel vm0, v2, v5;
	v18 =	vsel vm1, v1, v7;
	v14 =	vsel vm1, v6, v14;
	v25 =	vld [tilespmem:s29+$0xC]  }
0x1bc: {  	s26 =	sadd.s32 $0x20, s26;
	v16 =	vsel vm0, v6, v16;
	v1 =	vld [tilespmem:s29+$0xD]  }
0x1bd: {  	v2 =	vld [tilespmem:s26+$0x2]  }
0x1be: {  	v5 =	vld [tilespmem:s26+$0x3]  }
0x1bf: {  	v6 =	vld [tilespmem:s26+$0x4]  }
0x1c0: {  	v7 =	vld [tilespmem:s26+$0x5]  }
0x1c1: {  	v26 =	vld [tilespmem:s26+$0x6]  }
0x1c2: {  	v27 =	vld [tilespmem:s26+$0x7]  }
0x1c3: {  	v28 =	vld [tilespmem:s26+$0x8]  }
0x1c4: {  	v30 =	vld [tilespmem:s26+$0x9]  }
0x1c5: {  	v31 =	vld [tilespmem:s26+$0xA]  }
0x1c6: {  	v32 =	vld [tilespmem:s26+$0xB]  }
0x1c7: {  	v33 =	vld [tilespmem:s26+$0xC]  }
0x1c8: {  	v34 =	vld [tilespmem:s26+$0xD]  }
0x1c9: {  	v35 =	vld [tilespmem:s26+$0xE]  }
0x1ca: {  	v36 =	vld [tilespmem:s26+$0xF]  }
0x1cb: {  	v17 =	vld [tilespmem:s29+$0xFFFFFFF0]  }
0x1cc: {  	v37 =	vld [tilespmem:s29+$0xFFFFFFF1]  }
0x1cd: {  	v38 =	vld [tilespmem:s29+$0xFFFFFFF2]  }
0x1ce: {  	v39 =	vld [tilespmem:s29+$0xFFFFFFF3]  }
0x1cf: {  	v40 =	vld [tilespmem:s29+$0xFFFFFFF4]  }
0x1d0: {  	v41 =	vld [tilespmem:s29+$0xFFFFFFF5]  }
0x1d1: {  	v42 =	vld [tilespmem:s29+$0xFFFFFFF6]  }
0x1d2: {  	v43 =	vld [tilespmem:s29+$0xFFFFFFF7]  }
0x1d3: {  	v44 =	vld [tilespmem:s29+$0xFFFFFFF8]  }
0x1d4: {  	v45 =	vld [tilespmem:s29+$0xFFFFFFF9]  }
0x1d5: {  	v46 =	vld [tilespmem:s29+$0xFFFFFFFA]  }
0x1d6: {  	v47 =	vld [tilespmem:s29+$0xFFFFFFFB]  }
0x1d7: {  	v48 =	vld [tilespmem:s29+$0xFFFFFFFC]  }
0x1d8: {  	v49 =	vld [tilespmem:s29+$0xFFFFFFFD]  }
0x1d9: {  	v50 =	vld [tilespmem:s26+$0xFFFFFFF2]  }
0x1da: {  	v51 =	vld [tilespmem:s26+$0xFFFFFFF3]  }
0x1db: {  	v52 =	vld [tilespmem:s26+$0xFFFFFFF4]  }
0x1dc: {  	v53 =	vld [tilespmem:s26+$0xFFFFFFF5]  }
0x1dd: {  	v54 =	vld [tilespmem:s26+$0xFFFFFFF6]  }
0x1de: {  	v55 =	vld [tilespmem:s26+$0xFFFFFFF7]  }
0x1df: {  	v56 =	vld [tilespmem:s26+$0xFFFFFFF8]  }
0x1e0: {  	s25 =	sadd.s32 $0x20, s25;
	v57 =	vld [tilespmem:s26+$0xFFFFFFF9]  }
0x1e1: {  	v19 =	vor.u32 s25, v3;
	v58 =	vld [tilespmem:s26+$0xFFFFFFFA]  }
0x1e2: {  	v60 =	vmax.f32 v13, v20;
	v61 =	vmax.f32 v21, v22;
	v62 =	vmax.f32 v23, v29;
	v59 =	vld [tilespmem:s26+$0xFFFFFFFB]  }
0x1e3: {  	v4 =	vmax.f32 v11, v4;
	v9 =	vmax.f32 v9, v10;
	v0 =	vmax.f32 v0, v24;
	v63 =	vld [tilespmem:s26+$0xFFFFFFFC]  }
0x1e4: {  	v1 =	vmax.f32 v25, v1;
	v2 =	vmax.f32 v2, v5;
	v5 =	vmax.f32 v6, v7;
	v10 =	vld [tilespmem:s26+$0xFFFFFFFD]  }
0x1e5: {  	v20 =	vmax.f32 v26, v27;
	v22 =	vmax.f32 v28, v30;
	v23 =	vmax.f32 v31, v32;
	v6 =	vld [tilespmem:s26+$0xFFFFFFFE]  }
0x1e6: {  	s28 =	sadd.s32 $0x2, s28;
	v28 =	vmax.f32 v33, v34;
	v29 =	vmax.f32 v35, v36;
	v21 =	vmax.f32 v17, v37;
	v7 =	vld [tilespmem:s26+$0xFFFFFFFF]  }
0x1e7: {  	p0 =	slt.u32 s28, $0x7E;
	v26 =	vmax.f32 v38, v39;
	v27 =	vmax.f32 v40, v41;
	v30 =	vmax.f32 v42, v43;
	v11 =	vld [tilespmem:s29+$0xE]  }
.Ltmp7:
0x1e8: {  	v31 =	vmax.f32 v44, v45;
	v33 =	vmax.f32 v46, v47;
	v32 =	vmax.f32 v48, v49;
	v24 =	vld [tilespmem:s26+$0x10];
	(pc) =	sbr.rel @p0 .LBB2_12-.Ltmp7, $4  }
0x1e9: {  	v34 =	vmax.f32 v50, v51;
	v35 =	vmax.f32 v52, v53;
	v36 =	vmax.f32 v54, v55  }
0x1ea: {  	v38 =	vmax.f32 v56, v57;
	v37 =	vmax.f32 v58, v59;
	v39 =	vmax.f32 v63, v10;
	v46 =	vld [tilespmem:s29+$0xFFFFFFFE]  }
0x1eb: {  	v41 =	vmax.f32 v60, v61;
	v44 =	vmax.f32 v62, v4;
	v25 =	vld [tilespmem:s26+$0x0];
	v40 =	vmax.f32 v6, v7  }
0x1ec: {  	v42 =	vmax.f32 v9, v0;
	v43 =	vmax.f32 v2, v5;
	s29 =	sadd.s32 $0x20, s29;
	v45 =	vmax.f32 v1, v11  }
0x1ed: {  	v0 =	vmax.f32 v20, v22;
	v1 =	vmax.f32 v23, v28;
	v2 =	vmax.f32 v29, v24  }
0x1ee: {  	v4 =	vmax.f32 v21, v26;
	v5 =	vmax.f32 v27, v30;
	v6 =	vmax.f32 v31, v33  }
0x1ef: {  	v9 =	vmax.f32 v34, v35;
	v10 =	vmax.f32 v36, v38;
	v11 =	vmax.f32 v37, v39  }
0x1f0: {  	v60 =	vmax.f32 v41, v44;
	v4 =	vmax.f32 v4, v5;
	v7 =	vmax.f32 v32, v46  }
0x1f1: {  	v5 =	vmax.f32 v42, v45;
	v59 =	vmax.f32 v40, v25;
	v6 =	vmax.f32 v6, v7  }
0x1f2: {  	v7 =	vmax.f32 v9, v10;
	v9 =	vmax.f32 v11, v59;
	v4 =	vmax.f32 v4, v6  }
0x1f3: {  	v0 =	vmax.f32 v43, v0;
	v6 =	vmax.f32 v7, v9;
	v4 =	vadd.f32 v25, v4  }
0x1f4: {  	v1 =	vmax.f32 v1, v2;
	v5 =	vmax.f32 v60, v5;
	v11 =	vld [tilespmem:$0x1FFC0];
	v2 =	vadd.f32 v6, v17  }
0x1f5: {  	v0 =	vmax.f32 v0, v1;
	v1 =	vadd.f32 v24, v5;
	vm0 =	vgt.f32 v4, v15  }
0x1f6: {  	v0 =	vadd.f32 v0, v13;
	vm1 =	vgt.f32 v2, v18;
	v4 =	vsel vm0, v4, v15  }
0x1f7: {  	v61 =	vld [tilespmem:$0x1FFD0];
	v2 =	vsel vm1, v2, v18;
	vm2 =	vgt.f32 v1, v4  }
0x1f8: {  	vm3 =	vgt.f32 v0, v2;
	v1 =	vsel vm2, v1, v4  }
0x1f9: {  	v0 =	vsel vm3, v0, v2;
	v2 =	vperm.xlane v1, v11  }
0x1fa: {  	v62 =	vld [tilespmem:$0x1FFE0];
	v4 =	vperm.xlane v0, v11  }
0x1fb: {  	v2 =	vmax.f32 v1, v2  }
0x1fc: {  	v5 =	vperm.xlane v2, v61;
	v4 =	vmax.f32 v0, v4  }
0x1fd: {  	v63 =	vld [tilespmem:$0x1FFF0];
	v6 =	vperm.xlane v4, v61  }
0x1fe: {  	v2 =	vmax.f32 v2, v5  }
0x1ff: {  	v5 =	vperm.xlane v2, v62;
	v4 =	vmax.f32 v4, v6  }
0x200: {  	v6 =	vperm.xlane v4, v62  }
0x201: {  	v2 =	vmax.f32 v2, v5  }
0x202: {  	s25 =	sadd.s32 $0x10, s25;
	v5 =	vperm.xlane v2, v63;
	v4 =	vmax.f32 v4, v6  }
0x203: {  	v10 =	vor.u32 s25, v3;
	v7 =	vperm.xlane v4, v63  }
0x204: {  	v9 =	vsel vm0, v19, v16;
	v6 =	vsel vm1, v19, v14;
	v2 =	vmax.f32 v2, v5  }
0x205: {  	v5 =	vsel vm2, v10, v9;
	vm4 =	veq.f32 v1, v2;
	v1 =	vmax.f32 v4, v7  }
0x206: {  	v2 =	vsel vm3, v10, v6;
	v4 =	vnsel vm4, $0x800, v5;
	vm5 =	veq.f32 v0, v1  }
0x207: {  	v0 =	vperm.xlane v4, v11;
	v2 =	vnsel vm5, $0x800, v2  }
0x208: {  	v5 =	vperm.xlane v2, v11  }
0x209: {  	v7 =	vimm.s32 $0x80;
	vm6 =	vlt.s32 v4, v0  }
0x20a: {  	v0 =	vsel vm6, v4, v0;
	vm7 =	vlt.s32 v2, v5  }
0x20b: {  	v4 =	vperm.xlane v0, v61;
	v2 =	vsel vm7, v2, v5  }
0x20c: {  	v5 =	vperm.xlane v2, v61  }
0x20d: {  	vm8 =	vlt.s32 v0, v4  }
0x20e: {  	v0 =	vsel vm8, v0, v4;
	vm9 =	vlt.s32 v2, v5;
	v4 =	vld.idx.msk [tilespmem:v7+s6+$0x0], $0xffff  }
0x20f: {  	v6 =	vperm.xlane v0, v62;
	v2 =	vsel vm9, v2, v5;
	v5 =	vld.idx.msk [tilespmem:v7+s14+$0x0], $0xffff  }
0x210: {  	v7 =	vperm.xlane v2, v62  }
0x211: {  	vm10 =	vlt.s32 v0, v6  }
0x212: {  	v0 =	vsel vm10, v0, v6;
	vm11 =	vlt.s32 v2, v7  }
0x213: {  	v6 =	vperm.xlane v0, v63;
	v2 =	vsel vm11, v2, v7  }
0x214: {  	v7 =	vperm.xlane v2, v63;
	v9 =	vadd.f32 v5, v4  }
0x215: {  	vm12 =	vlt.s32 v0, v6  }
0x216: {  	v0 =	vsel vm12, v0, v6;
	vm13 =	vlt.s32 v2, v7;
	vm14 =	vgt.f32 v9, v1  }
0x217: {  	v1 =	vsel vm13, v2, v7;
	v0 =	vsel vm14, $0x0, v0  }
0x218: {  	v1 =	vsel vm14, $0x0, v1;
	v2 =	vshll.u32 v0, $0x1  }
0x219: {  	v0 =	vand.u32 $0x7F, v0;
	v2 =	vand.u32 $0xFFFFFF00, v2;
	v6 =	vshll.u32 v1, $0x1  }
0x21a: {  	v1 =	vand.u32 $0x7F, v1;
	v0 =	vor.u32 v2, v0;
	v2 =	vand.u32 $0xFFFFFF00, v6  }
0x21b: {  	v0 =	vor.u32 $0x80, v0;
	v1 =	vor.u32 v2, v1  }
0x21c: {  	v6 =	vld [tilespmem:$0x1FFB0];
	v1 =	vor.u32 $0x80, v1;
	_ =	sdelay $0x3  }
0x21d: {  	v0 =	vld.idx.msk [tilespmem:v0+s6+$0x0], $0xffff  }
0x21e: {  	v1 =	vld.idx.msk [tilespmem:v1+s14+$0x0], $0xffff;
	_ =	sdelay $0x2  }
0x21f: {  	v2 =	vld.idx.msk [tilespmem:v6+s17+$0x0], $0xffff  }
0x220: {  	v6 =	vld.idx.msk [tilespmem:v6+s15+$0x0], $0xffff  }
0x221: {  	v0 =	vmul.f32 v1, v0;
	v1 =	vmul.f32 v5, v4;
	v4 =	vld [tilespmem:$0x1FF80];
	_ =	sdelay $0x4  }
0x222: {  	v2 =	vmul.f32 v2, v4;
	v4 =	vmul.f32 v6, v12  }
0x223: {  	v0 =	vsub.f32 v1, v0;
	v1 =	vld [tilespmem:$0x1FF90]  }
0x224: {  	v2 =	vadd.f32 v4, v2;
	_ =	sdelay $0x1  }
0x225: {  	v0 =	vadd.f32 v2, v0;
	_ =	sdelay $0x1  }
0x226: {  	vm15 =	vgt.f32 v0, v1  }
0x227: {  	v0 =	vsel vm15, $0x3F800000, v8  }
0x228: {  	(xrf0) =	vmax.scan.msk.f32 $0xffff, v0;
	_ =	sdelay $0x5  }
0x229: {  	v0, _, _ =	vpop (xrf0)  }
0x22a: {  	(v2sf) =	vpush v0, $0xF;
	_ =	sdelay $0xe  }
0x22b: {  	s31 =	spop (v2sf)  }
0x22c: {  	p0 =	sgt.f32 s31, $0.0e+00  }
.Ltmp8:
0x22d: {  	_ = 	snop;
	(pc) =	sbr.rel @!p0 .LBB2_16-.Ltmp8, $1  }
0x22e: {  	_ =	sdelay $0x3  }
0x22f: {  	s26 =	simm.s32 $0xF0  }
0x230: {  	[tilespmem:s26+$0xFFFFFFA0] =	vst v8  }
0x231: {  	[tilespmem:s26+$0xFFFFFFB0] =	vst v8  }
0x232: {  	[tilespmem:s26+$0xFFFFFFC0] =	vst v8  }
0x233: {  	[tilespmem:s26+$0xFFFFFFD0] =	vst v8  }
0x234: {  	[tilespmem:s26+$0xFFFFFFE0] =	vst v8  }
0x235: {  	[tilespmem:s26+$0xFFFFFFF0] =	vst v8  }
0x236: {  	[tilespmem:s26+$0x0] =	vst v8  }
0x237: {  	s25 =	simm.s32 $0x10F0;
	[tilespmem:s26+$0xFFFFFF90] =	vst v8  }
0x238: {  	[tilespmem:s25+$0xFFFFFFA0] =	vst v8  }
0x239: {  	[tilespmem:s25+$0xFFFFFFB0] =	vst v8  }
0x23a: {  	[tilespmem:s25+$0xFFFFFFC0] =	vst v8  }
0x23b: {  	[tilespmem:s25+$0xFFFFFFD0] =	vst v8  }
0x23c: {  	[tilespmem:s25+$0xFFFFFFE0] =	vst v8  }
0x23d: {  	[tilespmem:s25+$0xFFFFFFF0] =	vst v8  }
0x23e: {  	[tilespmem:s25+$0x0] =	vst v8  }
0x23f: {  	s28 =	simm.s32 $0x1F0;
	s26 =	simm.s32 $0x0;
	[tilespmem:s25+$0xFFFFFF90] =	vst v8  }
.LBB2_15:
0x240: {  	[tilespmem:s28+$0xFFFFFFA0] =	vst v8;
	s25 =	sadd.s32 $0x100, s25  }
0x241: {  	[tilespmem:s25+$0xFFFFFFA0] =	vst v8  }
0x242: {  	[tilespmem:s28+$0xFFFFFFB0] =	vst v8  }
0x243: {  	[tilespmem:s25+$0xFFFFFFB0] =	vst v8  }
0x244: {  	[tilespmem:s28+$0xFFFFFFC0] =	vst v8  }
0x245: {  	[tilespmem:s25+$0xFFFFFFC0] =	vst v8  }
0x246: {  	[tilespmem:s28+$0xFFFFFFD0] =	vst v8  }
0x247: {  	[tilespmem:s25+$0xFFFFFFD0] =	vst v8  }
0x248: {  	[tilespmem:s28+$0xFFFFFFE0] =	vst v8  }
0x249: {  	s26 =	sadd.s32 $0x8, s26;
	[tilespmem:s25+$0xFFFFFFE0] =	vst v8  }
0x24a: {  	p0 =	slt.u32 s26, $0x78;
	[tilespmem:s28+$0xFFFFFFF0] =	vst v8  }
.Ltmp9:
0x24b: {  	[tilespmem:s25+$0xFFFFFFF0] =	vst v8;
	(pc) =	sbr.rel @p0 .LBB2_15-.Ltmp9, $4  }
0x24c: {  	[tilespmem:s28+$0x0] =	vst v8  }
0x24d: {  	[tilespmem:s25+$0x0] =	vst v8  }
0x24e: {  	[tilespmem:s28+$0xFFFFFF90] =	vst v8  }
0x24f: {  	s28 =	sadd.s32 $0x100, s28;
	[tilespmem:s25+$0xFFFFFF90] =	vst v8  }
.Ltmp10:
0x250: {  	_ = 	snop;
	(pc) =	sbr.rel .LBB2_16-.Ltmp10, $1  }
0x251: {  	_ =	sdelay $0x3  }
.LBB2_17:
0x252: {  	_ =	sfence.sel $0x180000  }
0x253: {  	[bflag:$0x0] =	sbarrier.arrive $0xFFFF  }
0x254: {  	p0 =	sne.s32 s0, $0x0;
	_ =	strace $0x90000047  }
0x255: {  	s0 =	sadd.s32 @!p0 $0x100000, s5;
	[bflag:$0x2] =	sbarrier.arrive $0xFFFF  }
0x256: {  	[sflag:s0] =	ssyncadd.tile.s32 @!p0 $0x1;
	_ =	shalt  }
.Lfunc_end2:
_tile_overlayer_lowered:
.L_overlay_start_2:
0x257: {  	(tag) =	ssettag $0x2  }
0x258: {  	s0 =	rddreg [dreg:$0x0];
	s2 =	stileid.u32  }
0x259: {  	s1 =	rddreg [dreg:$0x1];
	p0 =	sne.s32 s2, $0x0  }
0x25a: {  	s3 =	rddreg [dreg:$0x2];
	[bflag:$0x3] =	sbarrier.arrive $0xFFFF;
	s2 =	simm.s32 @!p0 $0x1C05  }
0x25b: {  	[timem:s3], [sflag:s2] =	dma.local @!p0 [hbm:s0], s1  }
0x25c: {  	s0 =	simm.s32 @!p0 $0x5  }
0x25d: {  	_ =	swait.ge @!p0 [sflag:s0], s1  }
0x25e: {  	s1 =	ssub.s32 @!p0 $0x0, s1;
	[sflag:s0] =	ssyncset.done @!p0 $0x0  }
0x25f: {  	[sflag:s0] =	ssyncadd.s32 @!p0 s1  }
0x260: {  	[bflag:$0x3] =	sbarrier.arrive $0xFFFF  }
0x261: {  	_ =	shalt  }

</sc_bundles>
